<compile_context>
chip_gen: v7x
topology: tpu7x:2x2x1
jax: 0.10.2.dev20260603
libtpu: 0.0.44.dev20260713+nightly
codegen_flags: <defaults>
</compile_context>

<pallas_src>
import functools

import jax
import jax.numpy as jnp
from jax import lax
from jax.experimental import pallas as pl
from jax.experimental.pallas import tpu as pltpu
from jax.experimental.pallas import tpu_sc as plsc

B, C, H, W = 32, 3, 512, 512
NPIX = H * W
ROWS = B * C
NC, NS, L = 2, 16, 16
NW = NC * NS
ROWS_PER_W = ROWS // NW
SPAN = ROWS_PER_W * NPIX
CHUNK = 8192
CPR = NPIX // CHUNK
GTOT = ROWS_PER_W * CPR
NBUF = 4
UNROLL = 16
MAGIC = 12582912.0
BIAS = 0x4B400000

_mesh = plsc.VectorSubcoreMesh(core_axis_name="c", subcore_axis_name="s")


@functools.partial(
    pl.kernel,
    mesh=_mesh,
    out_type=jax.ShapeDtypeStruct((ROWS * NPIX,), jnp.float32),
    scratch_types=(
        [pltpu.VMEM((ROWS_PER_W * 256,), jnp.float32)]
        + [pltpu.VMEM((CHUNK,), jnp.float32) for _ in range(2 * NBUF)]
        + [pltpu.SemaphoreType.DMA for _ in range(2 * NBUF)]
    ),
    compiler_params=pltpu.CompilerParams(needs_layout_passes=False),
)
def _lut_kernel(x_hbm, table_hbm, out_hbm, tab_v, *scratch):
    in_v = scratch[:NBUF]
    out_v = scratch[NBUF:2 * NBUF]
    isem = scratch[2 * NBUF:3 * NBUF]
    osem = scratch[3 * NBUF:4 * NBUF]

    wid = lax.axis_index("s") * NC + lax.axis_index("c")
    base = wid * SPAN

    pltpu.sync_copy(table_hbm.at[pl.ds(wid * (ROWS_PER_W * 256),
                                       ROWS_PER_W * 256)], tab_v)

    def in_slice(g):
        return x_hbm.at[pl.ds(base + g * CHUNK, CHUNK)]

    def out_slice(g):
        return out_hbm.at[pl.ds(base + g * CHUNK, CHUNK)]

    for b in range(NBUF):
        pltpu.async_copy(in_slice(b), in_v[b], isem[b])

    def group_body(p, carry):
        for b in range(NBUF):
            g = p * NBUF + b
            pltpu.make_async_copy(in_slice(g), in_v[b], isem[b]).wait()

            @pl.when(g >= NBUF)
            def _wait_out():
                pltpu.make_async_copy(out_v[b], out_slice(g - NBUF),
                                      osem[b]).wait()

            mrow = MAGIC + ((g // CPR) * 256).astype(jnp.float32)
            mvec = jnp.zeros((L,), jnp.float32) + mrow

            @plsc.parallel_loop(0, CHUNK // L, step=1, unroll=UNROLL)
            def vec_body(i):
                off = i * L
                v = in_v[b][pl.ds(off, L)]
                y = jnp.minimum(jnp.maximum(v * 255.0, 0.0), 255.0)
                idx = plsc.bitcast(y + mvec, jnp.int32) - BIAS
                out_v[b][pl.ds(off, L)] = plsc.load_gather(tab_v, [idx])

            pltpu.async_copy(out_v[b], out_slice(g), osem[b])

            @pl.when(g + NBUF < GTOT)
            def _next_in():
                pltpu.async_copy(in_slice(g + NBUF), in_v[b], isem[b])
        return carry

    lax.fori_loop(0, GTOT // NBUF, group_body, 0)

    for b in range(NBUF):
        pltpu.make_async_copy(out_v[b], out_slice(GTOT - NBUF + b),
                              osem[b]).wait()


def kernel(x, mapping_table):
    x2 = x.reshape(ROWS * NPIX)
    t2 = mapping_table.reshape(ROWS * 256)
    out = _lut_kernel(x2, t2)
    return out.reshape(B, C, H, W)

# --- scband reference (transcript-rebuilt; emitter-appended) ---
"""Pipeline reference for scband-random-pixel-mapping-19593640805006 (READ-ONLY COPY).

The authoritative reference and input builder live on the scoring server;
editing this copy changes nothing except your own understanding.
"""

import jax, jax.numpy as jnp
import numpy as np


def setup_inputs(seed: int = 0) -> dict:
    key = jax.random.key(seed)
    k1, k2 = jax.random.split(key)
    # Input image in [0,1) -> module scales by 255 before indexing
    x = jax.random.uniform(k1, (32, 3, 512, 512), dtype=jnp.float32)
    # Random mapping table T ~ U(-1, 1), per-sample and per-channel: [B, C, 256]
    mapping_table = jax.random.uniform(k2, (32, 3, 256), dtype=jnp.float32, minval=-1.0, maxval=1.0)
    return {"x": x, "mapping_table": mapping_table}


def reference(x, mapping_table):
    # x is floating point with values in [0, 1] -> scale to [0, 255]
    # (matches the torch module's `if x.max() <= 1.0 and x.min() >= 0.0: x = x * 255` branch)
    x_scaled = x * 255.0
    # last dim is W=512 (not 3), so no NHWC->NCHW permute branch is taken
    idx = jnp.clip(jnp.round(x_scaled), 0, 255).astype(jnp.int32)
    B, C, H, W = x.shape
    idx_flat = idx.reshape(B, C, H * W)
    # per-sample, per-channel gather: mapped[b, c, p] = table[b, c, idx[b, c, p]]
    mapped = jnp.take_along_axis(mapping_table, idx_flat, axis=2)
    return mapped.reshape(B, C, H, W)

if __name__ == "__main__":
    import jax
    _d = setup_inputs()
    print(jax.jit(kernel)(*tuple(_d.values())))

</pallas_src>

<mosaic_0001>
#map = affine_map<(d0, d1) -> (0)>
module attributes {stable_mosaic.version = 14 : i64} {
  func.func @_lut_kernel(%arg0: i32, %arg1: i32, %arg2: memref<25165824xf32, #tpu.memory_space<hbm>>, %arg3: memref<24576xf32, #tpu.memory_space<hbm>>, %arg4: memref<25165824xf32, #tpu.memory_space<hbm>>, %arg5: memref<768xf32, #tpu.memory_space<vmem>>, %arg6: memref<8192xf32, #tpu.memory_space<vmem>>, %arg7: memref<8192xf32, #tpu.memory_space<vmem>>, %arg8: memref<8192xf32, #tpu.memory_space<vmem>>, %arg9: memref<8192xf32, #tpu.memory_space<vmem>>, %arg10: memref<8192xf32, #tpu.memory_space<vmem>>, %arg11: memref<8192xf32, #tpu.memory_space<vmem>>, %arg12: memref<8192xf32, #tpu.memory_space<vmem>>, %arg13: memref<8192xf32, #tpu.memory_space<vmem>>, %arg14: memref<!tpu.dma_semaphore, #tpu.memory_space<semaphore_mem>>, %arg15: memref<!tpu.dma_semaphore, #tpu.memory_space<semaphore_mem>>, %arg16: memref<!tpu.dma_semaphore, #tpu.memory_space<semaphore_mem>>, %arg17: memref<!tpu.dma_semaphore, #tpu.memory_space<semaphore_mem>>, %arg18: memref<!tpu.dma_semaphore, #tpu.memory_space<semaphore_mem>>, %arg19: memref<!tpu.dma_semaphore, #tpu.memory_space<semaphore_mem>>, %arg20: memref<!tpu.dma_semaphore, #tpu.memory_space<semaphore_mem>>, %arg21: memref<!tpu.dma_semaphore, #tpu.memory_space<semaphore_mem>>) attributes {dimension_semantics = [#tpu.dimension_semantics<core_parallel>, #tpu.dimension_semantics<subcore_parallel>], iteration_bounds = array<i64: 2, 16>, scalar_prefetch = 0 : i64, scratch_operands = 17 : i64, tpu.core_type = #tpu.core_type<sc_vector_subcore>, window_params = [{transform_indices = #map}, {transform_indices = #map}, {transform_indices = #map}]} {
    %mul3A = arith.constant 2 : i32
    %mul3A_0 = arith.muli %arg1, %mul3A : i32
    %add3A = arith.addi %mul3A_0, %arg0 : i32
    %mul3A_1 = arith.constant 786432 : i32
    %mul3A_2 = arith.muli %add3A, %mul3A_1 : i32
    %mul3A_3 = arith.constant 768 : i32
    %mul3A_4 = arith.muli %add3A, %mul3A_3 : i32
    "tpu.region"() ({
      %run_scoped3A = tpu.sem_alloc : memref<!tpu.dma_semaphore, #tpu.memory_space<semaphore_mem>>
      %dma_start3A_40 = tpu.memref_slice %arg3[%mul3A_4] : memref<24576xf32, #tpu.memory_space<hbm>> -> memref<768xf32, #tpu.memory_space<hbm>>
      %dma_start3A_41 = tpu.memref_slice %arg3[%mul3A_4] : memref<24576xf32, #tpu.memory_space<hbm>> -> memref<768xf32, #tpu.memory_space<hbm>>
      tpu.enqueue_dma source(%dma_start3A_41 : memref<768xf32, #tpu.memory_space<hbm>>) target(%arg5 : memref<768xf32, #tpu.memory_space<vmem>>) target_semaphore(%run_scoped3A : memref<!tpu.dma_semaphore, #tpu.memory_space<semaphore_mem>>)
      %dma_wait3A_42 = tpu.memref_slice %arg3[%mul3A_4] : memref<24576xf32, #tpu.memory_space<hbm>> -> memref<768xf32, #tpu.memory_space<hbm>>
      %dma_wait3A_43 = tpu.memref_slice %arg3[%mul3A_4] : memref<24576xf32, #tpu.memory_space<hbm>> -> memref<768xf32, #tpu.memory_space<hbm>>
      tpu.wait_dma2 semaphore(%run_scoped3A : memref<!tpu.dma_semaphore, #tpu.memory_space<semaphore_mem>>) src(%dma_wait3A_43 : memref<768xf32, #tpu.memory_space<hbm>>) dst(%arg5 : memref<768xf32, #tpu.memory_space<vmem>>)
      tpu.yield
    }) : () -> ()
    %add3A_5 = arith.constant 0 : i32
    %add3A_6 = arith.addi %mul3A_2, %add3A_5 : i32
    %dma_start3A = tpu.memref_slice %arg2[%add3A_6] : memref<25165824xf32, #tpu.memory_space<hbm>> -> memref<8192xf32, #tpu.memory_space<hbm>>
    %dma_start3A_7 = tpu.memref_slice %arg2[%add3A_6] : memref<25165824xf32, #tpu.memory_space<hbm>> -> memref<8192xf32, #tpu.memory_space<hbm>>
    tpu.enqueue_dma source(%dma_start3A_7 : memref<8192xf32, #tpu.memory_space<hbm>>) target(%arg6 : memref<8192xf32, #tpu.memory_space<vmem>>) target_semaphore(%arg14 : memref<!tpu.dma_semaphore, #tpu.memory_space<semaphore_mem>>)
    %add3A_8 = arith.constant 8192 : i32
    %add3A_9 = arith.addi %mul3A_2, %add3A_8 : i32
    %dma_start3A_10 = tpu.memref_slice %arg2[%add3A_9] : memref<25165824xf32, #tpu.memory_space<hbm>> -> memref<8192xf32, #tpu.memory_space<hbm>>
    %dma_start3A_11 = tpu.memref_slice %arg2[%add3A_9] : memref<25165824xf32, #tpu.memory_space<hbm>> -> memref<8192xf32, #tpu.memory_space<hbm>>
    tpu.enqueue_dma source(%dma_start3A_11 : memref<8192xf32, #tpu.memory_space<hbm>>) target(%arg7 : memref<8192xf32, #tpu.memory_space<vmem>>) target_semaphore(%arg15 : memref<!tpu.dma_semaphore, #tpu.memory_space<semaphore_mem>>)
    %add3A_12 = arith.constant 16384 : i32
    %add3A_13 = arith.addi %mul3A_2, %add3A_12 : i32
    %dma_start3A_14 = tpu.memref_slice %arg2[%add3A_13] : memref<25165824xf32, #tpu.memory_space<hbm>> -> memref<8192xf32, #tpu.memory_space<hbm>>
    %dma_start3A_15 = tpu.memref_slice %arg2[%add3A_13] : memref<25165824xf32, #tpu.memory_space<hbm>> -> memref<8192xf32, #tpu.memory_space<hbm>>
    tpu.enqueue_dma source(%dma_start3A_15 : memref<8192xf32, #tpu.memory_space<hbm>>) target(%arg8 : memref<8192xf32, #tpu.memory_space<vmem>>) target_semaphore(%arg16 : memref<!tpu.dma_semaphore, #tpu.memory_space<semaphore_mem>>)
    %add3A_16 = arith.constant 24576 : i32
    %add3A_17 = arith.addi %mul3A_2, %add3A_16 : i32
    %dma_start3A_18 = tpu.memref_slice %arg2[%add3A_17] : memref<25165824xf32, #tpu.memory_space<hbm>> -> memref<8192xf32, #tpu.memory_space<hbm>>
    %dma_start3A_19 = tpu.memref_slice %arg2[%add3A_17] : memref<25165824xf32, #tpu.memory_space<hbm>> -> memref<8192xf32, #tpu.memory_space<hbm>>
    tpu.enqueue_dma source(%dma_start3A_19 : memref<8192xf32, #tpu.memory_space<hbm>>) target(%arg9 : memref<8192xf32, #tpu.memory_space<vmem>>) target_semaphore(%arg17 : memref<!tpu.dma_semaphore, #tpu.memory_space<semaphore_mem>>)
    %scan3A = arith.constant 0 : i32
    %scan3A_20 = arith.constant 0 : i32
    %scan3A_21 = arith.constant 24 : i32
    %scan3A_22 = arith.addi %scan3A_20, %scan3A_21 : i32
    %scan3A_23 = arith.constant 1 : i32
    scf.for %scan3A_40 = %scan3A_20 to %scan3A_22 step %scan3A_23  : i32 {
      %mul3A_41 = arith.constant 4 : i32
      %mul3A_42 = arith.muli %scan3A_40, %mul3A_41 : i32
      %add3A_43 = arith.constant 0 : i32
      %add3A_44 = arith.addi %mul3A_42, %add3A_43 : i32
      %mul3A_45 = arith.constant 8192 : i32
      %mul3A_46 = arith.muli %add3A_44, %mul3A_45 : i32
      %add3A_47 = arith.addi %mul3A_2, %mul3A_46 : i32
      %dma_wait3A_48 = tpu.memref_slice %arg2[%add3A_47] : memref<25165824xf32, #tpu.memory_space<hbm>> -> memref<8192xf32, #tpu.memory_space<hbm>>
      %dma_wait3A_49 = tpu.memref_slice %arg2[%add3A_47] : memref<25165824xf32, #tpu.memory_space<hbm>> -> memref<8192xf32, #tpu.memory_space<hbm>>
      tpu.wait_dma2 semaphore(%arg14 : memref<!tpu.dma_semaphore, #tpu.memory_space<semaphore_mem>>) src(%dma_wait3A_49 : memref<8192xf32, #tpu.memory_space<hbm>>) dst(%arg6 : memref<8192xf32, #tpu.memory_space<vmem>>)
      %ge3A = arith.constant 4 : i32
      %ge3A_50 = arith.cmpi sge, %add3A_44, %ge3A : i32
      %convert_element_type3A = arith.extui %ge3A_50 : i1 to i32
      %cond3A = arith.constant 0 : i32
      %cond3A_51 = arith.cmpi ne, %convert_element_type3A, %cond3A : i32
      scf.if %cond3A_51 {
        %sub3A_275 = arith.constant 4 : i32
        %sub3A_276 = arith.subi %add3A_44, %sub3A_275 : i32
        %mul3A_277 = arith.constant 8192 : i32
        %mul3A_278 = arith.muli %sub3A_276, %mul3A_277 : i32
        %add3A_279 = arith.addi %mul3A_2, %mul3A_278 : i32
        %dma_wait3A_280 = tpu.memref_slice %arg4[%add3A_279] : memref<25165824xf32, #tpu.memory_space<hbm>> -> memref<8192xf32, #tpu.memory_space<hbm>>
        %dma_wait3A_281 = tpu.memref_slice %arg4[%add3A_279] : memref<25165824xf32, #tpu.memory_space<hbm>> -> memref<8192xf32, #tpu.memory_space<hbm>>
        tpu.wait_dma2 semaphore(%arg18 : memref<!tpu.dma_semaphore, #tpu.memory_space<semaphore_mem>>) src(%arg10 : memref<8192xf32, #tpu.memory_space<vmem>>) dst(%dma_wait3A_281 : memref<8192xf32, #tpu.memory_space<hbm>>)
      } else {
      }
      %jit3A = arith.constant 32 : i32
      %div3A = arith.divsi %add3A_44, %jit3A : i32
      %sign3A = arith.constant 0 : i32
      %sign3A_52 = arith.cmpi sgt, %add3A_44, %sign3A : i32
      %sign3A_53 = arith.extui %sign3A_52 : i1 to i32
      %sign3A_54 = arith.constant 0 : i32
      %sign3A_55 = arith.cmpi slt, %add3A_44, %sign3A_54 : i32
      %sign3A_56 = arith.extui %sign3A_55 : i1 to i32
      %sign3A_57 = arith.subi %sign3A_53, %sign3A_56 : i32
      %sign3A_58 = arith.constant 0 : i32
      %sign3A_59 = arith.cmpi sgt, %jit3A, %sign3A_58 : i32
      %sign3A_60 = arith.extui %sign3A_59 : i1 to i32
      %sign3A_61 = arith.constant 0 : i32
      %sign3A_62 = arith.cmpi slt, %jit3A, %sign3A_61 : i32
      %sign3A_63 = arith.extui %sign3A_62 : i1 to i32
      %sign3A_64 = arith.subi %sign3A_60, %sign3A_63 : i32
      %ne3A = arith.cmpi ne, %sign3A_57, %sign3A_64 : i32
      %rem3A = arith.remsi %add3A_44, %jit3A : i32
      %ne3A_65 = arith.constant 0 : i32
      %ne3A_66 = arith.cmpi ne, %rem3A, %ne3A_65 : i32
      %and3A = arith.andi %ne3A, %ne3A_66 : i1
      %sub3A = arith.constant 1 : i32
      %sub3A_67 = arith.subi %div3A, %sub3A : i32
      %select_n3A = arith.select %and3A, %sub3A_67, %div3A : i32
      %mul3A_68 = arith.constant 256 : i32
      %mul3A_69 = arith.muli %select_n3A, %mul3A_68 : i32
      %convert_element_type3A_70 = arith.sitofp %mul3A_69 : i32 to f32
      %add3A_71 = arith.constant 0x4B400000 : f32
      %add3A_72 = arith.addf %add3A_71, %convert_element_type3A_70 : f32
      %broadcast_in_dim3A = arith.constant 0.000000e+00 : f32
      %broadcast_in_dim3A_73 = vector.broadcast %broadcast_in_dim3A : f32 to vector<16xf32>
      %add3A_74 = vector.broadcast %add3A_72 : f32 to vector<16xf32>
      %add3A_75 = arith.addf %broadcast_in_dim3A_73, %add3A_74 : vector<16xf32>
      %parallel_loop3A = arith.constant 0 : i32
      %parallel_loop3A_76 = arith.constant 512 : i32
      %parallel_loop3A_77 = arith.constant 1 : i32
      scf.for %parallel_loop3A_275 = %parallel_loop3A to %parallel_loop3A_76 step %parallel_loop3A_77  : i32 {
        %parallel_loop3A_276 = arith.constant 16 : i32
        %parallel_loop3A_277 = arith.muli %parallel_loop3A_275, %parallel_loop3A_276 : i32
        %parallel_loop3A_278 = arith.index_cast %parallel_loop3A_277 : i32 to index
        %parallel_loop3A_279 = tpu.vector_load %arg6[%parallel_loop3A_278] {strides = array<i32>} : memref<8192xf32, #tpu.memory_space<vmem>>, vector<16xf32>,
        %parallel_loop3A_280 = arith.constant 2.550000e+02 : f32
        %parallel_loop3A_281 = vector.broadcast %parallel_loop3A_280 : f32 to vector<16xf32>
        %parallel_loop3A_282 = arith.mulf %parallel_loop3A_279, %parallel_loop3A_281 : vector<16xf32>
        %parallel_loop3A_283 = arith.constant 0.000000e+00 : f32
        %parallel_loop3A_284 = vector.broadcast %parallel_loop3A_283 : f32 to vector<16xf32>
        %parallel_loop3A_285 = arith.maximumf %parallel_loop3A_282, %parallel_loop3A_284 : vector<16xf32>
        %parallel_loop3A_286 = arith.constant 2.550000e+02 : f32
        %parallel_loop3A_287 = vector.broadcast %parallel_loop3A_286 : f32 to vector<16xf32>
        %parallel_loop3A_288 = arith.minimumf %parallel_loop3A_285, %parallel_loop3A_287 : vector<16xf32>
        %parallel_loop3A_289 = arith.addf %parallel_loop3A_288, %add3A_75 : vector<16xf32>
        %parallel_loop3A_290 = vector.bitcast %parallel_loop3A_289 : vector<16xf32> to vector<16xi32>
        %parallel_loop3A_291 = arith.constant 1262485504 : i32
        %parallel_loop3A_292 = vector.broadcast %parallel_loop3A_291 : i32 to vector<16xi32>
        %parallel_loop3A_293 = arith.subi %parallel_loop3A_290, %parallel_loop3A_292 : vector<16xi32>
        %parallel_loop3A_294 = tpu.vector_load_idx %arg5[%parallel_loop3A_293] : memref<768xf32, #tpu.memory_space<vmem>>[vector<16xi32>], vector<16xf32>,
        %parallel_loop3A_295 = arith.index_cast %parallel_loop3A_277 : i32 to index
        %parallel_loop3A_296 = tpu.vector_load %arg10[%parallel_loop3A_295] {strides = array<i32>} : memref<8192xf32, #tpu.memory_space<vmem>>, vector<16xf32>,
        tpu.vector_store %arg10[%parallel_loop3A_295], %parallel_loop3A_294 {strides = array<i32>} : memref<8192xf32, #tpu.memory_space<vmem>>, vector<16xf32>,
      } {sc.loop_unroll_factor = 16 : i64, sc.parallel_access}
      %mul3A_78 = arith.constant 8192 : i32
      %mul3A_79 = arith.muli %add3A_44, %mul3A_78 : i32
      %add3A_80 = arith.addi %mul3A_2, %mul3A_79 : i32
      %dma_start3A_81 = tpu.memref_slice %arg4[%add3A_80] : memref<25165824xf32, #tpu.memory_space<hbm>> -> memref<8192xf32, #tpu.memory_space<hbm>>
      %dma_start3A_82 = tpu.memref_slice %arg4[%add3A_80] : memref<25165824xf32, #tpu.memory_space<hbm>> -> memref<8192xf32, #tpu.memory_space<hbm>>
      tpu.enqueue_dma source(%arg10 : memref<8192xf32, #tpu.memory_space<vmem>>) target(%dma_start3A_82 : memref<8192xf32, #tpu.memory_space<hbm>>) target_semaphore(%arg18 : memref<!tpu.dma_semaphore, #tpu.memory_space<semaphore_mem>>)
      %add3A_83 = arith.constant 4 : i32
      %add3A_84 = arith.addi %add3A_44, %add3A_83 : i32
      %lt3A = arith.constant 96 : i32
      %lt3A_85 = arith.cmpi slt, %add3A_84, %lt3A : i32
      %convert_element_type3A_86 = arith.extui %lt3A_85 : i1 to i32
      %cond3A_87 = arith.constant 0 : i32
      %cond3A_88 = arith.cmpi ne, %convert_element_type3A_86, %cond3A_87 : i32
      scf.if %cond3A_88 {
        %add3A_275 = arith.constant 4 : i32
        %add3A_276 = arith.addi %add3A_44, %add3A_275 : i32
        %mul3A_277 = arith.constant 8192 : i32
        %mul3A_278 = arith.muli %add3A_276, %mul3A_277 : i32
        %add3A_279 = arith.addi %mul3A_2, %mul3A_278 : i32
        %dma_start3A_280 = tpu.memref_slice %arg2[%add3A_279] : memref<25165824xf32, #tpu.memory_space<hbm>> -> memref<8192xf32, #tpu.memory_space<hbm>>
        %dma_start3A_281 = tpu.memref_slice %arg2[%add3A_279] : memref<25165824xf32, #tpu.memory_space<hbm>> -> memref<8192xf32, #tpu.memory_space<hbm>>
        tpu.enqueue_dma source(%dma_start3A_281 : memref<8192xf32, #tpu.memory_space<hbm>>) target(%arg6 : memref<8192xf32, #tpu.memory_space<vmem>>) target_semaphore(%arg14 : memref<!tpu.dma_semaphore, #tpu.memory_space<semaphore_mem>>)
      } else {
      }
      %mul3A_89 = arith.constant 4 : i32
      %mul3A_90 = arith.muli %scan3A_40, %mul3A_89 : i32
      %add3A_91 = arith.constant 1 : i32
      %add3A_92 = arith.addi %mul3A_90, %add3A_91 : i32
      %mul3A_93 = arith.constant 8192 : i32
      %mul3A_94 = arith.muli %add3A_92, %mul3A_93 : i32
      %add3A_95 = arith.addi %mul3A_2, %mul3A_94 : i32
      %dma_wait3A_96 = tpu.memref_slice %arg2[%add3A_95] : memref<25165824xf32, #tpu.memory_space<hbm>> -> memref<8192xf32, #tpu.memory_space<hbm>>
      %dma_wait3A_97 = tpu.memref_slice %arg2[%add3A_95] : memref<25165824xf32, #tpu.memory_space<hbm>> -> memref<8192xf32, #tpu.memory_space<hbm>>
      tpu.wait_dma2 semaphore(%arg15 : memref<!tpu.dma_semaphore, #tpu.memory_space<semaphore_mem>>) src(%dma_wait3A_97 : memref<8192xf32, #tpu.memory_space<hbm>>) dst(%arg7 : memref<8192xf32, #tpu.memory_space<vmem>>)
      %ge3A_98 = arith.constant 4 : i32
      %ge3A_99 = arith.cmpi sge, %add3A_92, %ge3A_98 : i32
      %convert_element_type3A_100 = arith.extui %ge3A_99 : i1 to i32
      %cond3A_101 = arith.constant 0 : i32
      %cond3A_102 = arith.cmpi ne, %convert_element_type3A_100, %cond3A_101 : i32
      scf.if %cond3A_102 {
        %sub3A_275 = arith.constant 4 : i32
        %sub3A_276 = arith.subi %add3A_92, %sub3A_275 : i32
        %mul3A_277 = arith.constant 8192 : i32
        %mul3A_278 = arith.muli %sub3A_276, %mul3A_277 : i32
        %add3A_279 = arith.addi %mul3A_2, %mul3A_278 : i32
        %dma_wait3A_280 = tpu.memref_slice %arg4[%add3A_279] : memref<25165824xf32, #tpu.memory_space<hbm>> -> memref<8192xf32, #tpu.memory_space<hbm>>
        %dma_wait3A_281 = tpu.memref_slice %arg4[%add3A_279] : memref<25165824xf32, #tpu.memory_space<hbm>> -> memref<8192xf32, #tpu.memory_space<hbm>>
        tpu.wait_dma2 semaphore(%arg19 : memref<!tpu.dma_semaphore, #tpu.memory_space<semaphore_mem>>) src(%arg11 : memref<8192xf32, #tpu.memory_space<vmem>>) dst(%dma_wait3A_281 : memref<8192xf32, #tpu.memory_space<hbm>>)
      } else {
      }
      %jit3A_103 = arith.constant 32 : i32
      %div3A_104 = arith.divsi %add3A_92, %jit3A_103 : i32
      %sign3A_105 = arith.constant 0 : i32
      %sign3A_106 = arith.cmpi sgt, %add3A_92, %sign3A_105 : i32
      %sign3A_107 = arith.extui %sign3A_106 : i1 to i32
      %sign3A_108 = arith.constant 0 : i32
      %sign3A_109 = arith.cmpi slt, %add3A_92, %sign3A_108 : i32
      %sign3A_110 = arith.extui %sign3A_109 : i1 to i32
      %sign3A_111 = arith.subi %sign3A_107, %sign3A_110 : i32
      %sign3A_112 = arith.constant 0 : i32
      %sign3A_113 = arith.cmpi sgt, %jit3A_103, %sign3A_112 : i32
      %sign3A_114 = arith.extui %sign3A_113 : i1 to i32
      %sign3A_115 = arith.constant 0 : i32
      %sign3A_116 = arith.cmpi slt, %jit3A_103, %sign3A_115 : i32
      %sign3A_117 = arith.extui %sign3A_116 : i1 to i32
      %sign3A_118 = arith.subi %sign3A_114, %sign3A_117 : i32
      %ne3A_119 = arith.cmpi ne, %sign3A_111, %sign3A_118 : i32
      %rem3A_120 = arith.remsi %add3A_92, %jit3A_103 : i32
      %ne3A_121 = arith.constant 0 : i32
      %ne3A_122 = arith.cmpi ne, %rem3A_120, %ne3A_121 : i32
      %and3A_123 = arith.andi %ne3A_119, %ne3A_122 : i1
      %sub3A_124 = arith.constant 1 : i32
      %sub3A_125 = arith.subi %div3A_104, %sub3A_124 : i32
      %select_n3A_126 = arith.select %and3A_123, %sub3A_125, %div3A_104 : i32
      %mul3A_127 = arith.constant 256 : i32
      %mul3A_128 = arith.muli %select_n3A_126, %mul3A_127 : i32
      %convert_element_type3A_129 = arith.sitofp %mul3A_128 : i32 to f32
      %add3A_130 = arith.constant 0x4B400000 : f32
      %add3A_131 = arith.addf %add3A_130, %convert_element_type3A_129 : f32
      %broadcast_in_dim3A_132 = arith.constant 0.000000e+00 : f32
      %broadcast_in_dim3A_133 = vector.broadcast %broadcast_in_dim3A_132 : f32 to vector<16xf32>
      %add3A_134 = vector.broadcast %add3A_131 : f32 to vector<16xf32>
      %add3A_135 = arith.addf %broadcast_in_dim3A_133, %add3A_134 : vector<16xf32>
      %parallel_loop3A_136 = arith.constant 0 : i32
      %parallel_loop3A_137 = arith.constant 512 : i32
      %parallel_loop3A_138 = arith.constant 1 : i32
      scf.for %parallel_loop3A_275 = %parallel_loop3A_136 to %parallel_loop3A_137 step %parallel_loop3A_138  : i32 {
        %parallel_loop3A_276 = arith.constant 16 : i32
        %parallel_loop3A_277 = arith.muli %parallel_loop3A_275, %parallel_loop3A_276 : i32
        %parallel_loop3A_278 = arith.index_cast %parallel_loop3A_277 : i32 to index
        %parallel_loop3A_279 = tpu.vector_load %arg7[%parallel_loop3A_278] {strides = array<i32>} : memref<8192xf32, #tpu.memory_space<vmem>>, vector<16xf32>,
        %parallel_loop3A_280 = arith.constant 2.550000e+02 : f32
        %parallel_loop3A_281 = vector.broadcast %parallel_loop3A_280 : f32 to vector<16xf32>
        %parallel_loop3A_282 = arith.mulf %parallel_loop3A_279, %parallel_loop3A_281 : vector<16xf32>
        %parallel_loop3A_283 = arith.constant 0.000000e+00 : f32
        %parallel_loop3A_284 = vector.broadcast %parallel_loop3A_283 : f32 to vector<16xf32>
        %parallel_loop3A_285 = arith.maximumf %parallel_loop3A_282, %parallel_loop3A_284 : vector<16xf32>
        %parallel_loop3A_286 = arith.constant 2.550000e+02 : f32
        %parallel_loop3A_287 = vector.broadcast %parallel_loop3A_286 : f32 to vector<16xf32>
        %parallel_loop3A_288 = arith.minimumf %parallel_loop3A_285, %parallel_loop3A_287 : vector<16xf32>
        %parallel_loop3A_289 = arith.addf %parallel_loop3A_288, %add3A_135 : vector<16xf32>
        %parallel_loop3A_290 = vector.bitcast %parallel_loop3A_289 : vector<16xf32> to vector<16xi32>
        %parallel_loop3A_291 = arith.constant 1262485504 : i32
        %parallel_loop3A_292 = vector.broadcast %parallel_loop3A_291 : i32 to vector<16xi32>
        %parallel_loop3A_293 = arith.subi %parallel_loop3A_290, %parallel_loop3A_292 : vector<16xi32>
        %parallel_loop3A_294 = tpu.vector_load_idx %arg5[%parallel_loop3A_293] : memref<768xf32, #tpu.memory_space<vmem>>[vector<16xi32>], vector<16xf32>,
        %parallel_loop3A_295 = arith.index_cast %parallel_loop3A_277 : i32 to index
        %parallel_loop3A_296 = tpu.vector_load %arg11[%parallel_loop3A_295] {strides = array<i32>} : memref<8192xf32, #tpu.memory_space<vmem>>, vector<16xf32>,
        tpu.vector_store %arg11[%parallel_loop3A_295], %parallel_loop3A_294 {strides = array<i32>} : memref<8192xf32, #tpu.memory_space<vmem>>, vector<16xf32>,
      } {sc.loop_unroll_factor = 16 : i64, sc.parallel_access}
      %mul3A_139 = arith.constant 8192 : i32
      %mul3A_140 = arith.muli %add3A_92, %mul3A_139 : i32
      %add3A_141 = arith.addi %mul3A_2, %mul3A_140 : i32
      %dma_start3A_142 = tpu.memref_slice %arg4[%add3A_141] : memref<25165824xf32, #tpu.memory_space<hbm>> -> memref<8192xf32, #tpu.memory_space<hbm>>
      %dma_start3A_143 = tpu.memref_slice %arg4[%add3A_141] : memref<25165824xf32, #tpu.memory_space<hbm>> -> memref<8192xf32, #tpu.memory_space<hbm>>
      tpu.enqueue_dma source(%arg11 : memref<8192xf32, #tpu.memory_space<vmem>>) target(%dma_start3A_143 : memref<8192xf32, #tpu.memory_space<hbm>>) target_semaphore(%arg19 : memref<!tpu.dma_semaphore, #tpu.memory_space<semaphore_mem>>)
      %add3A_144 = arith.constant 4 : i32
      %add3A_145 = arith.addi %add3A_92, %add3A_144 : i32
      %lt3A_146 = arith.constant 96 : i32
      %lt3A_147 = arith.cmpi slt, %add3A_145, %lt3A_146 : i32
      %convert_element_type3A_148 = arith.extui %lt3A_147 : i1 to i32
      %cond3A_149 = arith.constant 0 : i32
      %cond3A_150 = arith.cmpi ne, %convert_element_type3A_148, %cond3A_149 : i32
      scf.if %cond3A_150 {
        %add3A_275 = arith.constant 4 : i32
        %add3A_276 = arith.addi %add3A_92, %add3A_275 : i32
        %mul3A_277 = arith.constant 8192 : i32
        %mul3A_278 = arith.muli %add3A_276, %mul3A_277 : i32
        %add3A_279 = arith.addi %mul3A_2, %mul3A_278 : i32
        %dma_start3A_280 = tpu.memref_slice %arg2[%add3A_279] : memref<25165824xf32, #tpu.memory_space<hbm>> -> memref<8192xf32, #tpu.memory_space<hbm>>
        %dma_start3A_281 = tpu.memref_slice %arg2[%add3A_279] : memref<25165824xf32, #tpu.memory_space<hbm>> -> memref<8192xf32, #tpu.memory_space<hbm>>
        tpu.enqueue_dma source(%dma_start3A_281 : memref<8192xf32, #tpu.memory_space<hbm>>) target(%arg7 : memref<8192xf32, #tpu.memory_space<vmem>>) target_semaphore(%arg15 : memref<!tpu.dma_semaphore, #tpu.memory_space<semaphore_mem>>)
      } else {
      }
      %mul3A_151 = arith.constant 4 : i32
      %mul3A_152 = arith.muli %scan3A_40, %mul3A_151 : i32
      %add3A_153 = arith.constant 2 : i32
      %add3A_154 = arith.addi %mul3A_152, %add3A_153 : i32
      %mul3A_155 = arith.constant 8192 : i32
      %mul3A_156 = arith.muli %add3A_154, %mul3A_155 : i32
      %add3A_157 = arith.addi %mul3A_2, %mul3A_156 : i32
      %dma_wait3A_158 = tpu.memref_slice %arg2[%add3A_157] : memref<25165824xf32, #tpu.memory_space<hbm>> -> memref<8192xf32, #tpu.memory_space<hbm>>
      %dma_wait3A_159 = tpu.memref_slice %arg2[%add3A_157] : memref<25165824xf32, #tpu.memory_space<hbm>> -> memref<8192xf32, #tpu.memory_space<hbm>>
      tpu.wait_dma2 semaphore(%arg16 : memref<!tpu.dma_semaphore, #tpu.memory_space<semaphore_mem>>) src(%dma_wait3A_159 : memref<8192xf32, #tpu.memory_space<hbm>>) dst(%arg8 : memref<8192xf32, #tpu.memory_space<vmem>>)
      %ge3A_160 = arith.constant 4 : i32
      %ge3A_161 = arith.cmpi sge, %add3A_154, %ge3A_160 : i32
      %convert_element_type3A_162 = arith.extui %ge3A_161 : i1 to i32
      %cond3A_163 = arith.constant 0 : i32
      %cond3A_164 = arith.cmpi ne, %convert_element_type3A_162, %cond3A_163 : i32
      scf.if %cond3A_164 {
        %sub3A_275 = arith.constant 4 : i32
        %sub3A_276 = arith.subi %add3A_154, %sub3A_275 : i32
        %mul3A_277 = arith.constant 8192 : i32
        %mul3A_278 = arith.muli %sub3A_276, %mul3A_277 : i32
        %add3A_279 = arith.addi %mul3A_2, %mul3A_278 : i32
        %dma_wait3A_280 = tpu.memref_slice %arg4[%add3A_279] : memref<25165824xf32, #tpu.memory_space<hbm>> -> memref<8192xf32, #tpu.memory_space<hbm>>
        %dma_wait3A_281 = tpu.memref_slice %arg4[%add3A_279] : memref<25165824xf32, #tpu.memory_space<hbm>> -> memref<8192xf32, #tpu.memory_space<hbm>>
        tpu.wait_dma2 semaphore(%arg20 : memref<!tpu.dma_semaphore, #tpu.memory_space<semaphore_mem>>) src(%arg12 : memref<8192xf32, #tpu.memory_space<vmem>>) dst(%dma_wait3A_281 : memref<8192xf32, #tpu.memory_space<hbm>>)
      } else {
      }
      %jit3A_165 = arith.constant 32 : i32
      %div3A_166 = arith.divsi %add3A_154, %jit3A_165 : i32
      %sign3A_167 = arith.constant 0 : i32
      %sign3A_168 = arith.cmpi sgt, %add3A_154, %sign3A_167 : i32
      %sign3A_169 = arith.extui %sign3A_168 : i1 to i32
      %sign3A_170 = arith.constant 0 : i32
      %sign3A_171 = arith.cmpi slt, %add3A_154, %sign3A_170 : i32
      %sign3A_172 = arith.extui %sign3A_171 : i1 to i32
      %sign3A_173 = arith.subi %sign3A_169, %sign3A_172 : i32
      %sign3A_174 = arith.constant 0 : i32
      %sign3A_175 = arith.cmpi sgt, %jit3A_165, %sign3A_174 : i32
      %sign3A_176 = arith.extui %sign3A_175 : i1 to i32
      %sign3A_177 = arith.constant 0 : i32
      %sign3A_178 = arith.cmpi slt, %jit3A_165, %sign3A_177 : i32
      %sign3A_179 = arith.extui %sign3A_178 : i1 to i32
      %sign3A_180 = arith.subi %sign3A_176, %sign3A_179 : i32
      %ne3A_181 = arith.cmpi ne, %sign3A_173, %sign3A_180 : i32
      %rem3A_182 = arith.remsi %add3A_154, %jit3A_165 : i32
      %ne3A_183 = arith.constant 0 : i32
      %ne3A_184 = arith.cmpi ne, %rem3A_182, %ne3A_183 : i32
      %and3A_185 = arith.andi %ne3A_181, %ne3A_184 : i1
      %sub3A_186 = arith.constant 1 : i32
      %sub3A_187 = arith.subi %div3A_166, %sub3A_186 : i32
      %select_n3A_188 = arith.select %and3A_185, %sub3A_187, %div3A_166 : i32
      %mul3A_189 = arith.constant 256 : i32
      %mul3A_190 = arith.muli %select_n3A_188, %mul3A_189 : i32
      %convert_element_type3A_191 = arith.sitofp %mul3A_190 : i32 to f32
      %add3A_192 = arith.constant 0x4B400000 : f32
      %add3A_193 = arith.addf %add3A_192, %convert_element_type3A_191 : f32
      %broadcast_in_dim3A_194 = arith.constant 0.000000e+00 : f32
      %broadcast_in_dim3A_195 = vector.broadcast %broadcast_in_dim3A_194 : f32 to vector<16xf32>
      %add3A_196 = vector.broadcast %add3A_193 : f32 to vector<16xf32>
      %add3A_197 = arith.addf %broadcast_in_dim3A_195, %add3A_196 : vector<16xf32>
      %parallel_loop3A_198 = arith.constant 0 : i32
      %parallel_loop3A_199 = arith.constant 512 : i32
      %parallel_loop3A_200 = arith.constant 1 : i32
      scf.for %parallel_loop3A_275 = %parallel_loop3A_198 to %parallel_loop3A_199 step %parallel_loop3A_200  : i32 {
        %parallel_loop3A_276 = arith.constant 16 : i32
        %parallel_loop3A_277 = arith.muli %parallel_loop3A_275, %parallel_loop3A_276 : i32
        %parallel_loop3A_278 = arith.index_cast %parallel_loop3A_277 : i32 to index
        %parallel_loop3A_279 = tpu.vector_load %arg8[%parallel_loop3A_278] {strides = array<i32>} : memref<8192xf32, #tpu.memory_space<vmem>>, vector<16xf32>,
        %parallel_loop3A_280 = arith.constant 2.550000e+02 : f32
        %parallel_loop3A_281 = vector.broadcast %parallel_loop3A_280 : f32 to vector<16xf32>
        %parallel_loop3A_282 = arith.mulf %parallel_loop3A_279, %parallel_loop3A_281 : vector<16xf32>
        %parallel_loop3A_283 = arith.constant 0.000000e+00 : f32
        %parallel_loop3A_284 = vector.broadcast %parallel_loop3A_283 : f32 to vector<16xf32>
        %parallel_loop3A_285 = arith.maximumf %parallel_loop3A_282, %parallel_loop3A_284 : vector<16xf32>
        %parallel_loop3A_286 = arith.constant 2.550000e+02 : f32
        %parallel_loop3A_287 = vector.broadcast %parallel_loop3A_286 : f32 to vector<16xf32>
        %parallel_loop3A_288 = arith.minimumf %parallel_loop3A_285, %parallel_loop3A_287 : vector<16xf32>
        %parallel_loop3A_289 = arith.addf %parallel_loop3A_288, %add3A_197 : vector<16xf32>
        %parallel_loop3A_290 = vector.bitcast %parallel_loop3A_289 : vector<16xf32> to vector<16xi32>
        %parallel_loop3A_291 = arith.constant 1262485504 : i32
        %parallel_loop3A_292 = vector.broadcast %parallel_loop3A_291 : i32 to vector<16xi32>
        %parallel_loop3A_293 = arith.subi %parallel_loop3A_290, %parallel_loop3A_292 : vector<16xi32>
        %parallel_loop3A_294 = tpu.vector_load_idx %arg5[%parallel_loop3A_293] : memref<768xf32, #tpu.memory_space<vmem>>[vector<16xi32>], vector<16xf32>,
        %parallel_loop3A_295 = arith.index_cast %parallel_loop3A_277 : i32 to index
        %parallel_loop3A_296 = tpu.vector_load %arg12[%parallel_loop3A_295] {strides = array<i32>} : memref<8192xf32, #tpu.memory_space<vmem>>, vector<16xf32>,
        tpu.vector_store %arg12[%parallel_loop3A_295], %parallel_loop3A_294 {strides = array<i32>} : memref<8192xf32, #tpu.memory_space<vmem>>, vector<16xf32>,
      } {sc.loop_unroll_factor = 16 : i64, sc.parallel_access}
      %mul3A_201 = arith.constant 8192 : i32
      %mul3A_202 = arith.muli %add3A_154, %mul3A_201 : i32
      %add3A_203 = arith.addi %mul3A_2, %mul3A_202 : i32
      %dma_start3A_204 = tpu.memref_slice %arg4[%add3A_203] : memref<25165824xf32, #tpu.memory_space<hbm>> -> memref<8192xf32, #tpu.memory_space<hbm>>
      %dma_start3A_205 = tpu.memref_slice %arg4[%add3A_203] : memref<25165824xf32, #tpu.memory_space<hbm>> -> memref<8192xf32, #tpu.memory_space<hbm>>
      tpu.enqueue_dma source(%arg12 : memref<8192xf32, #tpu.memory_space<vmem>>) target(%dma_start3A_205 : memref<8192xf32, #tpu.memory_space<hbm>>) target_semaphore(%arg20 : memref<!tpu.dma_semaphore, #tpu.memory_space<semaphore_mem>>)
      %add3A_206 = arith.constant 4 : i32
      %add3A_207 = arith.addi %add3A_154, %add3A_206 : i32
      %lt3A_208 = arith.constant 96 : i32
      %lt3A_209 = arith.cmpi slt, %add3A_207, %lt3A_208 : i32
      %convert_element_type3A_210 = arith.extui %lt3A_209 : i1 to i32
      %cond3A_211 = arith.constant 0 : i32
      %cond3A_212 = arith.cmpi ne, %convert_element_type3A_210, %cond3A_211 : i32
      scf.if %cond3A_212 {
        %add3A_275 = arith.constant 4 : i32
        %add3A_276 = arith.addi %add3A_154, %add3A_275 : i32
        %mul3A_277 = arith.constant 8192 : i32
        %mul3A_278 = arith.muli %add3A_276, %mul3A_277 : i32
        %add3A_279 = arith.addi %mul3A_2, %mul3A_278 : i32
        %dma_start3A_280 = tpu.memref_slice %arg2[%add3A_279] : memref<25165824xf32, #tpu.memory_space<hbm>> -> memref<8192xf32, #tpu.memory_space<hbm>>
        %dma_start3A_281 = tpu.memref_slice %arg2[%add3A_279] : memref<25165824xf32, #tpu.memory_space<hbm>> -> memref<8192xf32, #tpu.memory_space<hbm>>
        tpu.enqueue_dma source(%dma_start3A_281 : memref<8192xf32, #tpu.memory_space<hbm>>) target(%arg8 : memref<8192xf32, #tpu.memory_space<vmem>>) target_semaphore(%arg16 : memref<!tpu.dma_semaphore, #tpu.memory_space<semaphore_mem>>)
      } else {
      }
      %mul3A_213 = arith.constant 4 : i32
      %mul3A_214 = arith.muli %scan3A_40, %mul3A_213 : i32
      %add3A_215 = arith.constant 3 : i32
      %add3A_216 = arith.addi %mul3A_214, %add3A_215 : i32
      %mul3A_217 = arith.constant 8192 : i32
      %mul3A_218 = arith.muli %add3A_216, %mul3A_217 : i32
      %add3A_219 = arith.addi %mul3A_2, %mul3A_218 : i32
      %dma_wait3A_220 = tpu.memref_slice %arg2[%add3A_219] : memref<25165824xf32, #tpu.memory_space<hbm>> -> memref<8192xf32, #tpu.memory_space<hbm>>
      %dma_wait3A_221 = tpu.memref_slice %arg2[%add3A_219] : memref<25165824xf32, #tpu.memory_space<hbm>> -> memref<8192xf32, #tpu.memory_space<hbm>>
      tpu.wait_dma2 semaphore(%arg17 : memref<!tpu.dma_semaphore, #tpu.memory_space<semaphore_mem>>) src(%dma_wait3A_221 : memref<8192xf32, #tpu.memory_space<hbm>>) dst(%arg9 : memref<8192xf32, #tpu.memory_space<vmem>>)
      %ge3A_222 = arith.constant 4 : i32
      %ge3A_223 = arith.cmpi sge, %add3A_216, %ge3A_222 : i32
      %convert_element_type3A_224 = arith.extui %ge3A_223 : i1 to i32
      %cond3A_225 = arith.constant 0 : i32
      %cond3A_226 = arith.cmpi ne, %convert_element_type3A_224, %cond3A_225 : i32
      scf.if %cond3A_226 {
        %sub3A_275 = arith.constant 4 : i32
        %sub3A_276 = arith.subi %add3A_216, %sub3A_275 : i32
        %mul3A_277 = arith.constant 8192 : i32
        %mul3A_278 = arith.muli %sub3A_276, %mul3A_277 : i32
        %add3A_279 = arith.addi %mul3A_2, %mul3A_278 : i32
        %dma_wait3A_280 = tpu.memref_slice %arg4[%add3A_279] : memref<25165824xf32, #tpu.memory_space<hbm>> -> memref<8192xf32, #tpu.memory_space<hbm>>
        %dma_wait3A_281 = tpu.memref_slice %arg4[%add3A_279] : memref<25165824xf32, #tpu.memory_space<hbm>> -> memref<8192xf32, #tpu.memory_space<hbm>>
        tpu.wait_dma2 semaphore(%arg21 : memref<!tpu.dma_semaphore, #tpu.memory_space<semaphore_mem>>) src(%arg13 : memref<8192xf32, #tpu.memory_space<vmem>>) dst(%dma_wait3A_281 : memref<8192xf32, #tpu.memory_space<hbm>>)
      } else {
      }
      %jit3A_227 = arith.constant 32 : i32
      %div3A_228 = arith.divsi %add3A_216, %jit3A_227 : i32
      %sign3A_229 = arith.constant 0 : i32
      %sign3A_230 = arith.cmpi sgt, %add3A_216, %sign3A_229 : i32
      %sign3A_231 = arith.extui %sign3A_230 : i1 to i32
      %sign3A_232 = arith.constant 0 : i32
      %sign3A_233 = arith.cmpi slt, %add3A_216, %sign3A_232 : i32
      %sign3A_234 = arith.extui %sign3A_233 : i1 to i32
      %sign3A_235 = arith.subi %sign3A_231, %sign3A_234 : i32
      %sign3A_236 = arith.constant 0 : i32
      %sign3A_237 = arith.cmpi sgt, %jit3A_227, %sign3A_236 : i32
      %sign3A_238 = arith.extui %sign3A_237 : i1 to i32
      %sign3A_239 = arith.constant 0 : i32
      %sign3A_240 = arith.cmpi slt, %jit3A_227, %sign3A_239 : i32
      %sign3A_241 = arith.extui %sign3A_240 : i1 to i32
      %sign3A_242 = arith.subi %sign3A_238, %sign3A_241 : i32
      %ne3A_243 = arith.cmpi ne, %sign3A_235, %sign3A_242 : i32
      %rem3A_244 = arith.remsi %add3A_216, %jit3A_227 : i32
      %ne3A_245 = arith.constant 0 : i32
      %ne3A_246 = arith.cmpi ne, %rem3A_244, %ne3A_245 : i32
      %and3A_247 = arith.andi %ne3A_243, %ne3A_246 : i1
      %sub3A_248 = arith.constant 1 : i32
      %sub3A_249 = arith.subi %div3A_228, %sub3A_248 : i32
      %select_n3A_250 = arith.select %and3A_247, %sub3A_249, %div3A_228 : i32
      %mul3A_251 = arith.constant 256 : i32
      %mul3A_252 = arith.muli %select_n3A_250, %mul3A_251 : i32
      %convert_element_type3A_253 = arith.sitofp %mul3A_252 : i32 to f32
      %add3A_254 = arith.constant 0x4B400000 : f32
      %add3A_255 = arith.addf %add3A_254, %convert_element_type3A_253 : f32
      %broadcast_in_dim3A_256 = arith.constant 0.000000e+00 : f32
      %broadcast_in_dim3A_257 = vector.broadcast %broadcast_in_dim3A_256 : f32 to vector<16xf32>
      %add3A_258 = vector.broadcast %add3A_255 : f32 to vector<16xf32>
      %add3A_259 = arith.addf %broadcast_in_dim3A_257, %add3A_258 : vector<16xf32>
      %parallel_loop3A_260 = arith.constant 0 : i32
      %parallel_loop3A_261 = arith.constant 512 : i32
      %parallel_loop3A_262 = arith.constant 1 : i32
      scf.for %parallel_loop3A_275 = %parallel_loop3A_260 to %parallel_loop3A_261 step %parallel_loop3A_262  : i32 {
        %parallel_loop3A_276 = arith.constant 16 : i32
        %parallel_loop3A_277 = arith.muli %parallel_loop3A_275, %parallel_loop3A_276 : i32
        %parallel_loop3A_278 = arith.index_cast %parallel_loop3A_277 : i32 to index
        %parallel_loop3A_279 = tpu.vector_load %arg9[%parallel_loop3A_278] {strides = array<i32>} : memref<8192xf32, #tpu.memory_space<vmem>>, vector<16xf32>,
        %parallel_loop3A_280 = arith.constant 2.550000e+02 : f32
        %parallel_loop3A_281 = vector.broadcast %parallel_loop3A_280 : f32 to vector<16xf32>
        %parallel_loop3A_282 = arith.mulf %parallel_loop3A_279, %parallel_loop3A_281 : vector<16xf32>
        %parallel_loop3A_283 = arith.constant 0.000000e+00 : f32
        %parallel_loop3A_284 = vector.broadcast %parallel_loop3A_283 : f32 to vector<16xf32>
        %parallel_loop3A_285 = arith.maximumf %parallel_loop3A_282, %parallel_loop3A_284 : vector<16xf32>
        %parallel_loop3A_286 = arith.constant 2.550000e+02 : f32
        %parallel_loop3A_287 = vector.broadcast %parallel_loop3A_286 : f32 to vector<16xf32>
        %parallel_loop3A_288 = arith.minimumf %parallel_loop3A_285, %parallel_loop3A_287 : vector<16xf32>
        %parallel_loop3A_289 = arith.addf %parallel_loop3A_288, %add3A_259 : vector<16xf32>
        %parallel_loop3A_290 = vector.bitcast %parallel_loop3A_289 : vector<16xf32> to vector<16xi32>
        %parallel_loop3A_291 = arith.constant 1262485504 : i32
        %parallel_loop3A_292 = vector.broadcast %parallel_loop3A_291 : i32 to vector<16xi32>
        %parallel_loop3A_293 = arith.subi %parallel_loop3A_290, %parallel_loop3A_292 : vector<16xi32>
        %parallel_loop3A_294 = tpu.vector_load_idx %arg5[%parallel_loop3A_293] : memref<768xf32, #tpu.memory_space<vmem>>[vector<16xi32>], vector<16xf32>,
        %parallel_loop3A_295 = arith.index_cast %parallel_loop3A_277 : i32 to index
        %parallel_loop3A_296 = tpu.vector_load %arg13[%parallel_loop3A_295] {strides = array<i32>} : memref<8192xf32, #tpu.memory_space<vmem>>, vector<16xf32>,
        tpu.vector_store %arg13[%parallel_loop3A_295], %parallel_loop3A_294 {strides = array<i32>} : memref<8192xf32, #tpu.memory_space<vmem>>, vector<16xf32>,
      } {sc.loop_unroll_factor = 16 : i64, sc.parallel_access}
      %mul3A_263 = arith.constant 8192 : i32
      %mul3A_264 = arith.muli %add3A_216, %mul3A_263 : i32
      %add3A_265 = arith.addi %mul3A_2, %mul3A_264 : i32
      %dma_start3A_266 = tpu.memref_slice %arg4[%add3A_265] : memref<25165824xf32, #tpu.memory_space<hbm>> -> memref<8192xf32, #tpu.memory_space<hbm>>
      %dma_start3A_267 = tpu.memref_slice %arg4[%add3A_265] : memref<25165824xf32, #tpu.memory_space<hbm>> -> memref<8192xf32, #tpu.memory_space<hbm>>
      tpu.enqueue_dma source(%arg13 : memref<8192xf32, #tpu.memory_space<vmem>>) target(%dma_start3A_267 : memref<8192xf32, #tpu.memory_space<hbm>>) target_semaphore(%arg21 : memref<!tpu.dma_semaphore, #tpu.memory_space<semaphore_mem>>)
      %add3A_268 = arith.constant 4 : i32
      %add3A_269 = arith.addi %add3A_216, %add3A_268 : i32
      %lt3A_270 = arith.constant 96 : i32
      %lt3A_271 = arith.cmpi slt, %add3A_269, %lt3A_270 : i32
      %convert_element_type3A_272 = arith.extui %lt3A_271 : i1 to i32
      %cond3A_273 = arith.constant 0 : i32
      %cond3A_274 = arith.cmpi ne, %convert_element_type3A_272, %cond3A_273 : i32
      scf.if %cond3A_274 {
        %add3A_275 = arith.constant 4 : i32
        %add3A_276 = arith.addi %add3A_216, %add3A_275 : i32
        %mul3A_277 = arith.constant 8192 : i32
        %mul3A_278 = arith.muli %add3A_276, %mul3A_277 : i32
        %add3A_279 = arith.addi %mul3A_2, %mul3A_278 : i32
        %dma_start3A_280 = tpu.memref_slice %arg2[%add3A_279] : memref<25165824xf32, #tpu.memory_space<hbm>> -> memref<8192xf32, #tpu.memory_space<hbm>>
        %dma_start3A_281 = tpu.memref_slice %arg2[%add3A_279] : memref<25165824xf32, #tpu.memory_space<hbm>> -> memref<8192xf32, #tpu.memory_space<hbm>>
        tpu.enqueue_dma source(%dma_start3A_281 : memref<8192xf32, #tpu.memory_space<hbm>>) target(%arg9 : memref<8192xf32, #tpu.memory_space<vmem>>) target_semaphore(%arg17 : memref<!tpu.dma_semaphore, #tpu.memory_space<semaphore_mem>>)
      } else {
      }
    }
    %scan3A_24 = arith.constant 24 : i32
    %add3A_25 = arith.constant 753664 : i32
    %add3A_26 = arith.addi %mul3A_2, %add3A_25 : i32
    %dma_wait3A = tpu.memref_slice %arg4[%add3A_26] : memref<25165824xf32, #tpu.memory_space<hbm>> -> memref<8192xf32, #tpu.memory_space<hbm>>
    %dma_wait3A_27 = tpu.memref_slice %arg4[%add3A_26] : memref<25165824xf32, #tpu.memory_space<hbm>> -> memref<8192xf32, #tpu.memory_space<hbm>>
    tpu.wait_dma2 semaphore(%arg18 : memref<!tpu.dma_semaphore, #tpu.memory_space<semaphore_mem>>) src(%arg10 : memref<8192xf32, #tpu.memory_space<vmem>>) dst(%dma_wait3A_27 : memref<8192xf32, #tpu.memory_space<hbm>>)
    %add3A_28 = arith.constant 761856 : i32
    %add3A_29 = arith.addi %mul3A_2, %add3A_28 : i32
    %dma_wait3A_30 = tpu.memref_slice %arg4[%add3A_29] : memref<25165824xf32, #tpu.memory_space<hbm>> -> memref<8192xf32, #tpu.memory_space<hbm>>
    %dma_wait3A_31 = tpu.memref_slice %arg4[%add3A_29] : memref<25165824xf32, #tpu.memory_space<hbm>> -> memref<8192xf32, #tpu.memory_space<hbm>>
    tpu.wait_dma2 semaphore(%arg19 : memref<!tpu.dma_semaphore, #tpu.memory_space<semaphore_mem>>) src(%arg11 : memref<8192xf32, #tpu.memory_space<vmem>>) dst(%dma_wait3A_31 : memref<8192xf32, #tpu.memory_space<hbm>>)
    %add3A_32 = arith.constant 770048 : i32
    %add3A_33 = arith.addi %mul3A_2, %add3A_32 : i32
    %dma_wait3A_34 = tpu.memref_slice %arg4[%add3A_33] : memref<25165824xf32, #tpu.memory_space<hbm>> -> memref<8192xf32, #tpu.memory_space<hbm>>
    %dma_wait3A_35 = tpu.memref_slice %arg4[%add3A_33] : memref<25165824xf32, #tpu.memory_space<hbm>> -> memref<8192xf32, #tpu.memory_space<hbm>>
    tpu.wait_dma2 semaphore(%arg20 : memref<!tpu.dma_semaphore, #tpu.memory_space<semaphore_mem>>) src(%arg12 : memref<8192xf32, #tpu.memory_space<vmem>>) dst(%dma_wait3A_35 : memref<8192xf32, #tpu.memory_space<hbm>>)
    %add3A_36 = arith.constant 778240 : i32
    %add3A_37 = arith.addi %mul3A_2, %add3A_36 : i32
    %dma_wait3A_38 = tpu.memref_slice %arg4[%add3A_37] : memref<25165824xf32, #tpu.memory_space<hbm>> -> memref<8192xf32, #tpu.memory_space<hbm>>
    %dma_wait3A_39 = tpu.memref_slice %arg4[%add3A_37] : memref<25165824xf32, #tpu.memory_space<hbm>> -> memref<8192xf32, #tpu.memory_space<hbm>>
    tpu.wait_dma2 semaphore(%arg21 : memref<!tpu.dma_semaphore, #tpu.memory_space<semaphore_mem>>) src(%arg13 : memref<8192xf32, #tpu.memory_space<vmem>>) dst(%dma_wait3A_39 : memref<8192xf32, #tpu.memory_space<hbm>>)
    return
  }
}

</mosaic_0001>

<sc_bundles>
// kernel: kernel.3.cloned.1.call-start
scs
__scs_entry_jumppad:
0x0: {  	(pc) =	sbr.rel $0x88, $3  }
0x1: {  	(tag) =	ssettag $0x0;
	lr =	simm.s32 $0x1  }
0x2: {  	[smem:$0x3F9F] =	sst lr;
	_ =	strace $0xD0000000  }
0x3: {  	_ = 	snop  }
0x4: {  	_ = 	snop  }
0x5: {  	_ = 	snop  }
0x6: {  	_ = 	snop  }
0x7: {  	_ = 	snop  }
__scs_overlays_trampoline_lowered:
0x8: {  	[smem:$0x3FAE] =	sst s0  }
0x9: {  	[smem:$0x3FAF] =	sst s1  }
0xa: {  	[smem:$0x3FB0] =	sst s2  }
0xb: {  	[smem:$0x3FB1] =	sst s3  }
0xc: {  	[smem:$0x3FB2] =	sst s4  }
0xd: {  	[smem:$0x3FB3] =	sst s5  }
0xe: {  	[smem:$0x3FB4] =	sst s6  }
0xf: {  	[smem:$0x3FB5] =	sst s7  }
0x10: {  	[smem:$0x3FB6] =	sst s8  }
0x11: {  	[smem:$0x3FB7] =	sst s9;
	s0 =	simm.s32 @!p0 $0x0  }
0x12: {  	s1 =	sld [smem:$0x3F9D];
	s0 =	simm.s32 @p0 $0x1  }
0x13: {  	[smem:$0x3FB8] =	sst s0;
	s0 =	simm.s32 @!p1 $0x0  }
0x14: {  	s2 =	sld [smem:$0x3F9C];
	s0 =	simm.s32 @p1 $0x1  }
0x15: {  	[smem:$0x3FB9] =	sst s0;
	s0 =	simm.s32 @!p2 $0x0  }
0x16: {  	s3 =	sld [smem:$0x3FDB];
	s0 =	simm.s32 @p2 $0x1  }
0x17: {  	s4 =	simm.s32 $0x1BF5;
	[smem:$0x3FBB] =	sst s0  }
0x18: {  	s0 =	sld [smem:$0x3F9E];
	_ =	swait.ge [sflag:s4], $0x0  }
0x19: {  	s7 =	sld [smem:$0x3F9F]  }
0x1a: {  	s8 =	sadd.s32 $0xFFFFE003, lr  }
0x1b: {  	s9 =	sadd.s32 $0xFFFFFEF7, lr;
	s5 =	simm.s32 $0xFFFFFFFF;
	p2 =	slt.u32 s8, $0xFFFFF086  }
0x1c: {  	p1 =	slt.u32 s9, $0xF7A;
	s5 =	simm.s32 @!p2 $0x0  }
0x1d: {  	s5 =	simm.s32 @p1 $0x1;
	p0 =	seq.s32 s7, s2  }
0x1e: {  	s7 =	smul.u32 @!p0 $0xF7A, s2;
	p2 =	seq.s32 @!p0 s5, $0x0  }
0x1f: {  	s9 =	smul.u32 $0xF7A, s1;
	s8 =	simm.s32 @!p0 $0x1BF5;
	p2 =	por !p2, p0  }
0x20: {  	[sflag:s8] =	ssyncset.s32 @!p0 $0xFFFFF086;
	s6 =	sadd.s32 @!p0 s3, s7;
	s7 =	simm.s32 @!p0 $0x108  }
0x21: {  	s3 =	sadd.s32 s3, s9;
	s6 =	sadd.s32 @!p0 $0x88, s6;
	s7 =	simm.s32 @p2 $0x1082  }
0x22: {  	[simem:s7], [sflag:s8] =	dma.local @!p0 [hbm:s6], $0xF7A  }
0x23: {  	s9 =	sor.u32 $0xD0000000, s2;
	s6 =	simm.s32 $0x108;
	_ =	swait.ge @!p0 [sflag:s8], $0x0  }
0x24: {  	s3 =	sadd.s32 $0x88, s3;
	s6 =	simm.s32 @!p1 $0x1082;
	[sflag:s4] =	ssyncset.s32 $0xFFFFF086  }
0x25: {  	[simem:s6], [sflag:s4] =	dma.local [hbm:s3], $0xF7A  }
0x26: {  	[smem:$0x3F9F] =	sst s1;
	(tag) =	ssettag s2;
	_ =	strace s9  }
0x27: {  	s1 =	sld [smem:$0x3FAF]  }
0x28: {  	s2 =	sld [smem:$0x3FB0]  }
0x29: {  	s4 =	sld [smem:$0x3FB2]  }
0x2a: {  	p0 =	seq.s32 s5, $0x0;
	s5 =	sld [smem:$0x3FB3]  }
0x2b: {  	s6 =	sld [smem:$0x3FB4]  }
0x2c: {  	s7 =	sld [smem:$0x3FB5]  }
0x2d: {  	s3 =	simm.s32 $0x108;
	s8 =	sld [smem:$0x3FB6]  }
0x2e: {  	s3 =	simm.s32 @!p0 $0x1082;
	s9 =	sld [smem:$0x3FB7]  }
0x2f: {  	lr =	sadd.s32 s0, s3;
	s0 =	sld [smem:$0x3FAE]  }
0x30: {  	s3 =	sld [smem:$0x3FB1]  }
0x31: {  	[smem:$0x3FBA] =	sst s10  }
0x32: {  	s10 =	sld [smem:$0x3FB8];
	_ =	sdelay $0x3  }
0x33: {  	p0 =	seq.s32 s10, $0x1;
	s10 =	sld [smem:$0x3FBA];
	_ =	sdelay $0x3  }
0x34: {  	[smem:$0x3FBA] =	sst s10  }
0x35: {  	s10 =	sld [smem:$0x3FB9];
	_ =	sdelay $0x3  }
0x36: {  	p1 =	seq.s32 s10, $0x1;
	s10 =	sld [smem:$0x3FBA];
	_ =	sdelay $0x3  }
0x37: {  	[smem:$0x3FBA] =	sst s10  }
0x38: {  	s10 =	sld [smem:$0x3FBB]  }
0x39: {  	_ = 	snop;
	(pc) =	sbr.ind lr, $3  }
0x3a: {  	_ = 	snop  }
0x3b: {  	_ = 	snop  }
0x3c: {  	p2 =	seq.s32 s10, $0x1;
	s10 =	sld [smem:$0x3FBA]  }
0x3d: {  	_ =	shalt  }
0x3e: {  	_ =	shalt  }
0x3f: {  	_ =	shalt  }
0x40: {  	_ =	shalt  }
0x41: {  	_ =	shalt  }
0x42: {  	_ =	shalt  }
0x43: {  	_ =	shalt  }
0x44: {  	_ =	shalt  }
0x45: {  	_ =	shalt  }
0x46: {  	_ =	shalt  }
0x47: {  	_ =	shalt  }
0x48: {  	_ =	shalt  }
0x49: {  	_ =	shalt  }
0x4a: {  	_ =	shalt  }
0x4b: {  	_ =	shalt  }
0x4c: {  	_ =	shalt  }
0x4d: {  	_ =	shalt  }
0x4e: {  	_ =	shalt  }
0x4f: {  	_ =	shalt  }
0x50: {  	_ =	shalt  }
0x51: {  	_ =	shalt  }
0x52: {  	_ =	shalt  }
0x53: {  	_ =	shalt  }
0x54: {  	_ =	shalt  }
0x55: {  	_ =	shalt  }
0x56: {  	_ =	shalt  }
0x57: {  	_ =	shalt  }
0x58: {  	_ =	shalt  }
0x59: {  	_ =	shalt  }
0x5a: {  	_ =	shalt  }
0x5b: {  	_ =	shalt  }
0x5c: {  	_ =	shalt  }
0x5d: {  	_ =	shalt  }
0x5e: {  	_ =	shalt  }
0x5f: {  	_ =	shalt  }
0x60: {  	_ =	shalt  }
0x61: {  	_ =	shalt  }
0x62: {  	_ =	shalt  }
0x63: {  	_ =	shalt  }
0x64: {  	_ =	shalt  }
0x65: {  	_ =	shalt  }
0x66: {  	_ =	shalt  }
0x67: {  	_ =	shalt  }
0x68: {  	_ =	shalt  }
0x69: {  	_ =	shalt  }
0x6a: {  	_ =	shalt  }
0x6b: {  	_ =	shalt  }
0x6c: {  	_ =	shalt  }
0x6d: {  	_ =	shalt  }
0x6e: {  	_ =	shalt  }
0x6f: {  	_ =	shalt  }
0x70: {  	_ =	shalt  }
0x71: {  	_ =	shalt  }
0x72: {  	_ =	shalt  }
0x73: {  	_ =	shalt  }
0x74: {  	_ =	shalt  }
0x75: {  	_ =	shalt  }
0x76: {  	_ =	shalt  }
0x77: {  	_ =	shalt  }
0x78: {  	_ =	shalt  }
0x79: {  	_ =	shalt  }
0x7a: {  	_ =	shalt  }
0x7b: {  	_ =	shalt  }
0x7c: {  	_ =	shalt  }
0x7d: {  	_ =	shalt  }
0x7e: {  	_ =	shalt  }
0x7f: {  	_ =	shalt  }
0x80: {  	_ =	shalt  }
0x81: {  	_ =	shalt  }
0x82: {  	_ =	shalt  }
0x83: {  	_ =	shalt  }
0x84: {  	_ =	shalt  }
0x85: {  	_ =	shalt  }
0x86: {  	_ =	shalt  }
0x87: {  	_ =	shalt  }
.Lfunc_end0:
.L_simem_size_0:
called_computation.1_lowered:
.L_overlay_start_0:
0x88: {  	s2 =	sld [smem:$0x3FD9]  }
0x89: {  	s3 =	sld [smem:$0x3FFE];
	_ =	sdelay $0x1  }
0x8a: {  	s1 =	srdreg.scid  }
0x8b: {  	s0 =	sand.u32 $0x1, s1  }
0x8c: {  	s17 =	sshll.u32 s0, $0xA;
	s2 =	sadd.s32 s3, s2  }
0x8d: {  	s2 =	sadd.s32 s2, s17  }
0x8e: {  	[smem:$0x3FC6] =	sst s2  }
0x8f: {  	_ = 	snop  }
0x90: {  	s2 =	sld [smem:$0x3FD0];
	(tm) =	ssettm $0x1  }
0x91: {  	s18 =	sld [smem:$0x3FFB];
	_ =	sdelay $0x3  }
0x92: {  	_ =	strace s18  }
0x93: {  	s3 =	sld [smem:$0x3FFC];
	_ =	sdelay $0x3  }
0x94: {  	_ =	strace s3  }
0x95: {  	s3 =	sld [smem:$0x3FFD];
	_ =	sdelay $0x3  }
0x96: {  	_ =	strace s3  }
0x97: {  	_ =	strace $0x8FFFFFFF  }
0x98: {  	s19 =	sld [smem:$0x3FDB];
	_ =	sdelay $0x1  }
0x99: {  	s4 =	simm.s32 $_scs_section_size  }
0x9a: {  	s5 =	simm.s32 $_size__tile_overlayer_lowered;
	s6 =	simm.s32 $_tile_overlayer_lowered  }
0x9b: {  	s22 =	simm.s32 $0x1BFF;
	s21 =	sshll.u32 s6, $0x1;
	s3 =	sadd.s32 s4, s19  }
0x9c: {  	s7 =	simm.s32 $0x0;
	s20 =	sshll.u32 s5, $0x1;
	s5 =	sadd.s32 s21, s3  }
0x9d: {  	[timem:s7], [sflag:s22] =	dma.local [hbm:s5], s20  }
0x9e: {  	_ =	swait.ge [sflag:s22], s20  }
0x9f: {  	s4 =	ssub.s32 $0x0, s20;
	[sflag:s22] =	ssyncset.done $0x0  }
0xa0: {  	[sflag:s22] =	ssyncadd.s32 s4;
	_ =	sdelay $0x1  }
0xa1: {  	s23 =	simm.s32 $0x1B8B  }
0xa2: {  	_ =	swait.ge [sflag:s23], $0x1  }
0xa3: {  	[sflag:s23] =	ssyncset.done $0x0  }
0xa4: {  	s25 =	simm.s32 $0x1B8E;
	s24 =	sld [smem:$0x3FFE];
	[sflag:s23] =	ssyncadd.s32 $0xFFFFFFFF  }
0xa5: {  	s26 =	simm.s32 $execute0_lowered;
	[smem:$0x3FD2] =	sst s25  }
0xa6: {  	s5 =	sshll.u32 s26, $0x1;
	_ =	strace $0x80000049;
	[dreg:$0x1] =	wrdreg $0xFFFFFFFF  }
0xa7: {  	s28 =	simm.s32 $_size_execute0_lowered;
	s3 =	sadd.s32 s3, s5;
	[dreg:$0x0] =	wrdreg $0x0  }
0xa8: {  	s5 =	sshll.u32 s28, $0x1;
	[dreg:$0x2] =	wrdreg s3  }
0xa9: {  	[dreg:$0x3] =	wrdreg s5  }
0xaa: {  	[dreg:$0x4] =	wrdreg $0xC0  }
0xab: {  	_ =	task [dreg:s7], $0x5FFFF  }
0xac: {  	[dreg:$0x1] =	wrdreg $0xFFFFFFFF  }
0xad: {  	[dreg:$0x0] =	wrdreg $0x60  }
0xae: {  	[dreg:$0x2] =	wrdreg s2  }
0xaf: {  	[dreg:$0x3] =	wrdreg s24  }
0xb0: {  	[dreg:$0x4] =	wrdreg $0x9  }
0xb1: {  	_ =	task.clear_ibuf [dreg:s7], $0x5FFFF;
	_ =	strace $0x90000049  }
0xb2: {  	s29 =	simm.s32 $0x9;
	_ =	strace $0x8000004B  }
0xb3: {  	_ =	swait.ge [sflag:s29], $0x1  }
0xb4: {  	[sflag:s29] =	ssyncadd.s32 $0xFFFFFFFF  }
0xb5: {  	_ =	strace $0x9000004B  }
0xb6: {  	_ =	sfence  }
0xb7: {  	s30 =	sld [smem:$0x0];
	_ =	sdelay $0x2  }
0xb8: {  	s31 =	sshll.u32 s1, $0xD;
	s1 =	sshrl.u32 s1, $0x2  }
0xb9: {  	s3 =	sand.u32 $0x4000, s31;
	s1 =	sadd.s32 s1, s30  }
0xba: {  	s0 =	sor.u32 s3, s0;
	s1 =	sshll.u32 s1, $0x11  }
0xbb: {  	s0 =	sor.u32 s1, s0  }
0xbc: {  	s0 =	sadd.s32 $0x8F2B, s0  }
0xbd: {  	[sflag:s0] =	ssyncadd.remote.s32 $0x1  }
0xbe: {  	_ =	sfence.sel $0xFFFF  }
0xbf: {  	[dreg:$0x0] =	wrdreg $0xFFFFFFFF;
	(pc) =	sbr.abs _section_cstart, $3  }
0xc0: {  	[dreg:$0x1] =	wrdreg $0xFFFFFFFF  }
0xc1: {  	_ =	task.clear_ibuf [dreg:s7], $0x2FFFF;
	_ =	strace $0x9FFFFFFF  }
0xc2: {  	(tm) =	ssettm $0x7FFFFFFF  }
0xc3: {  	_ =	shalt  }
tec
execute0_lowered:
.L_overlay_start_1:
0x0: {  	(tag) =	ssettag $0x1  }
0x1: {  	s0 =	srdreg.scid  }
0x2: {  	s1 =	stileid.u32;
	s2 =	rddreg [dreg:$0x0]  }
0x3: {  	s5 =	rddreg [dreg:$0x1];
	s3 =	simm.s32 $0x0;
	s28 =	simm.s32 $0xA300  }
0x4: {  	s29 =	simm.s32 $0x3;
	s0 =	sand.u32 $0x1, s0;
	s1 =	sshll.u32 s1, $0x1  }
0x5: {  	s30 =	simm.s32 $0xC300;
	s31 =	simm.s32 $0x4;
	s1 =	sor.u32 s0, s1  }
0x6: {  	s20 =	simm.s32 $0x6;
	s0 =	ssub.s32 $0x2, s0;
	s6 =	smul.u32 $0x60, s1  }
0x7: {  	[smem:$0x7FF] =	sst s3;
	s4 =	smul.u32 $0xC0000, s1;
	s22 =	sshrl.u32 s0, $0x1  }
0x8: {  	_ =	strace $0x8000004A;
	s0 =	ssub.s32 s0, s22;
	s22 =	simm.s32 $0x8  }
0x9: {  	s21 =	sadd.s32 s6, s5;
	s7 =	sshrl.u32 s4, $0x3;
	s5 =	sadd.s32 $0x1600, s5  }
0xa: {  	s11 =	sor.u32 $0x8000, s4;
	s12 =	sor.u32 $0x2000, s4;
	s13 =	sor.u32 $0xA000, s4  }
0xb: {  	s14 =	sor.u32 $0x4000, s4;
	s15 =	sor.u32 $0xC000, s4;
	s0 =	smax.u32 s0, $0x1  }
0xc: {  	s16 =	sor.u32 $0x6000, s4;
	s1 =	sadd.s32 $0xA00, s21;
	[dreg:$0x8] =	wrdreg s0  }
0xd: {  	s17 =	sor.u32 $0xE000, s4;
	s23 =	sadd.s32 s2, s7;
	[dreg:$0x4] =	wrdreg s1  }
.Ltmp0:
0xe: {  	s24 =	sadd.s32 $0x400, s23;
	[dreg:$0x3] =	wrdreg s23;
	(pc) =	sbr.rel .LBB2_1-.Ltmp0, $4  }
0xf: {  	s21 =	simm.s32 $0x7;
	s25 =	sadd.s32 $0x800, s23;
	[dreg:$0x5] =	wrdreg s24  }
0x10: {  	s7 =	simm.s32 $0x0;
	s26 =	sadd.s32 $0xC00, s23;
	[dreg:$0x6] =	wrdreg s25  }
0x11: {  	s23 =	simm.s32 $0x6300;
	s1 =	simm.s32 $0xE300;
	[dreg:$0x7] =	wrdreg s26  }
0x12: {  	s24 =	simm.s32 $0x1;
	s25 =	simm.s32 $0x8300;
	s26 =	simm.s32 $0x2  }
.LBB2_12:
0x13: {  	s0 =	simm.s32 $0x5  }
0x14: {  	_ =	swait.ge [sflag:s0], $0x2000  }
0x15: {  	[sflag:s0] =	ssyncset.done $0x0  }
0x16: {  	[sflag:s0] =	ssyncadd.s32 $0xFFFFE000  }
0x17: {  	_ =	swait.ge [sflag:s20], $0x2000  }
0x18: {  	[sflag:s20] =	ssyncset.done $0x0  }
0x19: {  	[sflag:s20] =	ssyncadd.s32 $0xFFFFE000  }
0x1a: {  	_ =	swait.ge [sflag:s21], $0x2000  }
0x1b: {  	[sflag:s21] =	ssyncset.done $0x0  }
0x1c: {  	[sflag:s21] =	ssyncadd.s32 $0xFFFFE000  }
0x1d: {  	_ =	swait.ge [sflag:s22], $0x2000  }
0x1e: {  	s7 =	sadd.s32 $0x1, s7;
	s19 =	rddreg [dreg:$0x8]  }
0x1f: {  	p0 =	sne.s32 s7, s19  }
.Ltmp1:
0x20: {  	_ = 	snop;
	(pc) =	sbr.rel @!p0 .LBB2_13-.Ltmp1, $3  }
0x21: {  	_ =	sdelay $0x1  }
0x22: {  	[sflag:s22] =	ssyncset.done $0x0  }
0x23: {  	[sflag:s22] =	ssyncadd.s32 $0xFFFFE000  }
.LBB2_1:
0x24: {  	s0 =	rddreg [dreg:$0x4];
	s18 =	simm.s32 $0x9  }
0x25: {  	[tilespmem:s3], [sflag:$0x9] =	stream.linear.gather [hbm4b:s0+s3], $0x300, $0x38;
	[tilespmem:$0x10300] =	vst v63  }
0x26: {  	_ =	swait.ge [sflag:s18], $0x300  }
0x27: {  	[sflag:s18] =	ssyncset.done $0x0  }
0x28: {  	s6 =	simm.s32 $0x300;
	s19 =	rddreg [dreg:$0x3];
	[sflag:s18] =	ssyncadd.s32 $0xFFFFFD00  }
0x29: {  	[tilespmem:s6], [sflag:$0x1] =	stream.linear.gather [hbm4b:s19+s3], $0x2000, $0x38;
	[tilespmem:$0x10300] =	vst v63  }
0x2a: {  	s9 =	simm.s32 $0x2300;
	s8 =	rddreg [dreg:$0x5]  }
0x2b: {  	[tilespmem:s9], [sflag:$0x2] =	stream.linear.gather [hbm4b:s8+s3], $0x2000, $0x38;
	[tilespmem:$0x10300] =	vst v63  }
0x2c: {  	s10 =	rddreg [dreg:$0x6];
	s18 =	simm.s32 $0x4300  }
0x2d: {  	[tilespmem:s18], [sflag:$0x3] =	stream.linear.gather [hbm4b:s10+s3], $0x2000, $0x38;
	[tilespmem:$0x10300] =	vst v63  }
0x2e: {  	s19 =	rddreg [dreg:$0x7];
	s8 =	simm.s32 $0x0  }
0x2f: {  	[tilespmem:s23], [sflag:$0x4] =	stream.linear.gather [hbm4b:s19+s3], $0x2000, $0x38;
	[tilespmem:$0x10300] =	vst v63  }
.LBB2_2:
0x30: {  	_ =	swait.ge [sflag:s24], $0x2000  }
0x31: {  	p0 =	seq.s32 s8, $0x0;
	[sflag:s24] =	ssyncset.done $0x0  }
0x32: {  	s0 =	simm.s32 @!p0 $0x5;
	[sflag:s24] =	ssyncadd.s32 $0xFFFFE000  }
0x33: {  	_ =	swait.ge @!p0 [sflag:s0], $0x2000  }
0x34: {  	[sflag:s0] =	ssyncset.done @!p0 $0x0  }
0x35: {  	s18 =	simm.s32 $0x380;
	[sflag:s0] =	ssyncadd.s32 @!p0 $0xFFFFE000  }
0x36: {  	v0 =	vld [tilespmem:s18+$0x70]  }
0x37: {  	v1 =	vld [tilespmem:s18+$0xFFFFFF90]  }
0x38: {  	v2 =	vld [tilespmem:s18+$0xFFFFFFA0]  }
0x39: {  	v3 =	vld [tilespmem:s18+$0xFFFFFFB0]  }
0x3a: {  	v4 =	vld [tilespmem:s18+$0xFFFFFFC0]  }
0x3b: {  	v5 =	vld [tilespmem:s18+$0xFFFFFFD0]  }
0x3c: {  	v7 =	vld [tilespmem:s18+$0xFFFFFFE0]  }
0x3d: {  	v8 =	vld [tilespmem:s18+$0xFFFFFFF0]  }
0x3e: {  	v9 =	vld [tilespmem:s18+$0x0]  }
0x3f: {  	v10 =	vld [tilespmem:s18+$0x10]  }
0x40: {  	v11 =	vld [tilespmem:s18+$0xFFFFFF80]  }
0x41: {  	v12 =	vld [tilespmem:s18+$0x20]  }
0x42: {  	v13 =	vld [tilespmem:s18+$0x30]  }
0x43: {  	v14 =	vld [tilespmem:s18+$0x40]  }
0x44: {  	v15 =	vld [tilespmem:s18+$0x50]  }
0x45: {  	s19 =	simm.s32 $0x480;
	v16 =	vld [tilespmem:s18+$0x60]  }
0x46: {  	v17 =	vld [tilespmem:s19+$0x70]  }
0x47: {  	v18 =	vld [tilespmem:s19+$0xFFFFFF90]  }
0x48: {  	v19 =	vld [tilespmem:s19+$0xFFFFFFA0]  }
0x49: {  	v20 =	vld [tilespmem:s19+$0xFFFFFFB0];
	v6 =	vmul.f32 $2.550000000e+02, v0  }
0x4a: {  	v21 =	vld [tilespmem:s19+$0xFFFFFFC0];
	v1 =	vmul.f32 $2.550000000e+02, v1;
	v2 =	vmul.f32 $2.550000000e+02, v2  }
0x4b: {  	v22 =	vld [tilespmem:s19+$0xFFFFFFD0];
	v3 =	vmul.f32 $2.550000000e+02, v3;
	v4 =	vmul.f32 $2.550000000e+02, v4  }
0x4c: {  	v23 =	vld [tilespmem:s19+$0xFFFFFFE0];
	v5 =	vmul.f32 $2.550000000e+02, v5;
	v7 =	vmul.f32 $2.550000000e+02, v7  }
0x4d: {  	v24 =	vld [tilespmem:s19+$0xFFFFFFF0];
	v8 =	vmul.f32 $2.550000000e+02, v8;
	v9 =	vmul.f32 $2.550000000e+02, v9  }
0x4e: {  	v25 =	vld [tilespmem:s19+$0x0];
	v10 =	vmul.f32 $2.550000000e+02, v10;
	v11 =	vmul.f32 $2.550000000e+02, v11  }
0x4f: {  	v26 =	vld [tilespmem:s19+$0x10];
	v12 =	vmul.f32 $2.550000000e+02, v12;
	v13 =	vmul.f32 $2.550000000e+02, v13  }
0x50: {  	v27 =	vld [tilespmem:s19+$0x20];
	v14 =	vmul.f32 $2.550000000e+02, v14;
	v15 =	vmul.f32 $2.550000000e+02, v15  }
0x51: {  	v28 =	vld [tilespmem:s19+$0x30];
	v16 =	vmul.f32 $2.550000000e+02, v16;
	v17 =	vmul.f32 $2.550000000e+02, v17  }
0x52: {  	s6 =	sshll.u32 s8, $0x5;
	v29 =	vld [tilespmem:s19+$0x40];
	v18 =	vmul.f32 $2.550000000e+02, v18;
	v19 =	vmul.f32 $2.550000000e+02, v19  }
0x53: {  	s6 =	sand.u32 $0x300, s6;
	v32 =	vld [tilespmem:s19+$0xFFFFFF80];
	v20 =	vmul.f32 $2.550000000e+02, v20;
	v21 =	vmul.f32 $2.550000000e+02, v21  }
0x54: {  	s6 =	sor.u32 $0xC00000, s6;
	v22 =	vmul.f32 $2.550000000e+02, v22;
	v23 =	vmul.f32 $2.550000000e+02, v23  }
0x55: {  	s6 =	scvt.s32.f32 s6;
	v24 =	vmul.f32 $2.550000000e+02, v24;
	v25 =	vmul.f32 $2.550000000e+02, v25  }
0x56: {  	v26 =	vmul.f32 $2.550000000e+02, v26;
	v27 =	vmul.f32 $2.550000000e+02, v27  }
0x57: {  	v0 =	vmov s6;
	v28 =	vmul.f32 $2.550000000e+02, v28;
	v29 =	vmul.f32 $2.550000000e+02, v29  }
0x58: {  	v57 =	vmul.f32 $2.550000000e+02, v32;
	v6 =	vmax.f32 v6, $0.0e+00;
	v1 =	vmax.f32 v1, $0.0e+00  }
0x59: {  	v2 =	vmax.f32 v2, $0.0e+00;
	v3 =	vmax.f32 v3, $0.0e+00;
	v4 =	vmax.f32 v4, $0.0e+00  }
0x5a: {  	v5 =	vmax.f32 v5, $0.0e+00;
	v7 =	vmax.f32 v7, $0.0e+00;
	v8 =	vmax.f32 v8, $0.0e+00  }
0x5b: {  	v9 =	vmax.f32 v9, $0.0e+00;
	v10 =	vmax.f32 v10, $0.0e+00;
	v11 =	vmax.f32 v11, $0.0e+00  }
0x5c: {  	v12 =	vmax.f32 v12, $0.0e+00;
	v13 =	vmax.f32 v13, $0.0e+00;
	v14 =	vmax.f32 v14, $0.0e+00  }
0x5d: {  	v15 =	vmax.f32 v15, $0.0e+00;
	v16 =	vmax.f32 v16, $0.0e+00;
	v17 =	vmax.f32 v17, $0.0e+00  }
0x5e: {  	v18 =	vmax.f32 v18, $0.0e+00;
	v19 =	vmax.f32 v19, $0.0e+00;
	v20 =	vmax.f32 v20, $0.0e+00  }
0x5f: {  	v21 =	vmax.f32 v21, $0.0e+00;
	v22 =	vmax.f32 v22, $0.0e+00;
	v23 =	vmax.f32 v23, $0.0e+00  }
0x60: {  	v24 =	vmax.f32 v24, $0.0e+00;
	v25 =	vmax.f32 v25, $0.0e+00;
	v26 =	vmax.f32 v26, $0.0e+00  }
0x61: {  	v27 =	vmax.f32 v27, $0.0e+00;
	v28 =	vmax.f32 v28, $0.0e+00;
	v29 =	vmax.f32 v29, $0.0e+00  }
0x62: {  	v59 =	vmax.f32 v57, $0.0e+00;
	v6 =	vmin.f32 v6, $2.550000000e+02;
	v1 =	vmin.f32 v1, $2.550000000e+02  }
0x63: {  	v2 =	vmin.f32 v2, $2.550000000e+02;
	v3 =	vmin.f32 v3, $2.550000000e+02;
	v4 =	vmin.f32 v4, $2.550000000e+02  }
0x64: {  	v5 =	vmin.f32 v5, $2.550000000e+02;
	v7 =	vmin.f32 v7, $2.550000000e+02;
	v11 =	vmin.f32 v11, $2.550000000e+02  }
0x65: {  	v8 =	vmin.f32 v8, $2.550000000e+02;
	v9 =	vmin.f32 v9, $2.550000000e+02;
	v10 =	vmin.f32 v10, $2.550000000e+02  }
0x66: {  	v12 =	vmin.f32 v12, $2.550000000e+02;
	v13 =	vmin.f32 v13, $2.550000000e+02;
	v14 =	vmin.f32 v14, $2.550000000e+02  }
0x67: {  	v15 =	vmin.f32 v15, $2.550000000e+02;
	v16 =	vmin.f32 v16, $2.550000000e+02;
	v17 =	vmin.f32 v17, $2.550000000e+02  }
0x68: {  	v18 =	vmin.f32 v18, $2.550000000e+02;
	v19 =	vmin.f32 v19, $2.550000000e+02;
	v6 =	vadd.f32 v6, v0  }
0x69: {  	v20 =	vmin.f32 v20, $2.550000000e+02;
	v21 =	vmin.f32 v21, $2.550000000e+02;
	v1 =	vadd.f32 v1, v0  }
0x6a: {  	v22 =	vmin.f32 v22, $2.550000000e+02;
	v11 =	vadd.f32 v11, v0;
	v6 =	vadd.s32 $0xB4C00000, v6  }
0x6b: {  	v23 =	vmin.f32 v23, $2.550000000e+02;
	v17 =	vadd.f32 v17, v0;
	v1 =	vadd.s32 $0xB4C00000, v1  }
0x6c: {  	v24 =	vmin.f32 v24, $2.550000000e+02;
	v2 =	vadd.f32 v2, v0;
	v11 =	vadd.s32 $0xB4C00000, v11  }
0x6d: {  	v30 =	vld [tilespmem:s19+$0x50];
	v25 =	vmin.f32 v25, $2.550000000e+02;
	v3 =	vadd.f32 v3, v0;
	v17 =	vadd.s32 $0xB4C00000, v17  }
0x6e: {  	v31 =	vld [tilespmem:s19+$0x60];
	v26 =	vmin.f32 v26, $2.550000000e+02;
	v4 =	vadd.f32 v4, v0;
	v2 =	vadd.s32 $0xB4C00000, v2  }
0x6f: {  	v27 =	vmin.f32 v27, $2.550000000e+02;
	v5 =	vadd.f32 v5, v0;
	v3 =	vadd.s32 $0xB4C00000, v3;
	v6 =	vld.idx.msk [tilespmem:v6+s3+$0x0], $0xffff  }
0x70: {  	v58 =	vmin.f32 v29, $2.550000000e+02;
	v7 =	vadd.f32 v7, v0;
	v4 =	vadd.s32 $0xB4C00000, v4;
	v1 =	vld.idx.msk [tilespmem:v1+s3+$0x0], $0xffff  }
0x71: {  	v8 =	vadd.f32 v8, v0;
	v12 =	vadd.f32 v12, v0;
	v5 =	vadd.s32 $0xB4C00000, v5;
	v11 =	vld.idx.msk [tilespmem:v11+s3+$0x0], $0xffff  }
0x72: {  	v9 =	vadd.f32 v9, v0;
	v10 =	vadd.f32 v10, v0;
	v7 =	vadd.s32 $0xB4C00000, v7;
	v17 =	vld.idx.msk [tilespmem:v17+s3+$0x0], $0xffff  }
0x73: {  	v13 =	vadd.f32 v13, v0;
	v14 =	vadd.f32 v14, v0;
	v12 =	vadd.s32 $0xB4C00000, v12;
	v2 =	vld.idx.msk [tilespmem:v2+s3+$0x0], $0xffff  }
0x74: {  	s18 =	simm.s32 $0x8380;
	v15 =	vadd.f32 v15, v0;
	v16 =	vadd.f32 v16, v0;
	v8 =	vadd.s32 $0xB4C00000, v8;
	v3 =	vld.idx.msk [tilespmem:v3+s3+$0x0], $0xffff  }
0x75: {  	v61 =	vadd.f32 v22, v0;
	v23 =	vadd.f32 v23, v0;
	v9 =	vadd.s32 $0xB4C00000, v9;
	v4 =	vld.idx.msk [tilespmem:v4+s3+$0x0], $0xffff;
	[tilespmem:s18+$0x70] =	vst v6  }
0x76: {  	v24 =	vadd.f32 v24, v0;
	v10 =	vadd.s32 $0xB4C00000, v10;
	v5 =	vld.idx.msk [tilespmem:v5+s3+$0x0], $0xffff;
	v6 =	vmul.f32 $2.550000000e+02, v30;
	[tilespmem:s18+$0xFFFFFF90] =	vst v1  }
0x77: {  	s10 =	simm.s32 $0x8480;
	v25 =	vadd.f32 v25, v0;
	v26 =	vadd.f32 v26, v0;
	v13 =	vadd.s32 $0xB4C00000, v13;
	v7 =	vld.idx.msk [tilespmem:v7+s3+$0x0], $0xffff;
	[tilespmem:s18+$0xFFFFFF80] =	vst v11  }
0x78: {  	v14 =	vadd.s32 $0xB4C00000, v14;
	v15 =	vadd.s32 $0xB4C00000, v15;
	v62 =	vld.idx.msk [tilespmem:v12+s3+$0x0], $0xffff;
	[tilespmem:s10+$0x70] =	vst v17;
	v6 =	vmax.f32 v6, $0.0e+00  }
0x79: {  	v17 =	vadd.f32 v18, v0;
	[tilespmem:s18+$0xFFFFFFA0] =	vst v2;
	v60 =	vmin.f32 v6, $2.550000000e+02;
	v6 =	vld.idx.msk [tilespmem:v8+s3+$0x0], $0xffff;
	v8 =	vmin.f32 v59, $2.550000000e+02  }
0x7a: {  	v16 =	vadd.s32 $0xB4C00000, v16;
	v18 =	vadd.f32 v19, v0;
	v19 =	vld.idx.msk [tilespmem:v9+s3+$0x0], $0xffff;
	[tilespmem:s18+$0xFFFFFFB0] =	vst v3;
	v2 =	vadd.f32 v8, v0  }
0x7b: {  	v1 =	vmul.f32 $2.550000000e+02, v31;
	v3 =	vld.idx.msk [tilespmem:v10+s3+$0x0], $0xffff;
	[tilespmem:s18+$0xFFFFFFC0] =	vst v4;
	v8 =	vadd.f32 v20, v0;
	v20 =	vadd.s32 $0xB4C00000, v17  }
0x7c: {  	v13 =	vld.idx.msk [tilespmem:v13+s3+$0x0], $0xffff;
	v12 =	vadd.f32 v27, v0;
	v11 =	vmin.f32 v28, $2.550000000e+02;
	[tilespmem:s18+$0xFFFFFFD0] =	vst v5;
	v63 =	vadd.s32 $0xB4C00000, v2  }
0x7d: {  	v14 =	vld.idx.msk [tilespmem:v14+s3+$0x0], $0xffff;
	v9 =	vadd.f32 v21, v0;
	[tilespmem:s18+$0xFFFFFFE0] =	vst v7;
	v7 =	vadd.s32 $0xB4C00000, v23;
	v1 =	vmax.f32 v1, $0.0e+00  }
0x7e: {  	v15 =	vld.idx.msk [tilespmem:v15+s3+$0x0], $0xffff;
	[tilespmem:s18+$0x20] =	vst v62;
	v10 =	vadd.f32 v11, v0;
	v11 =	vadd.s32 $0xB4C00000, v61;
	v1 =	vmin.f32 v1, $2.550000000e+02  }
0x7f: {  	v17 =	vadd.f32 v58, v0;
	v5 =	vadd.f32 v1, v0;
	[tilespmem:s18+$0x0] =	vst v19;
	v2 =	vadd.s32 $0xB4C00000, v18;
	v18 =	vld.idx.msk [tilespmem:v16+s3+$0x0], $0xffff  }
0x80: {  	s9 =	sshll.u32 s8, $0xF;
	v1 =	vadd.s32 $0xB4C00000, v26;
	[tilespmem:s18+$0x10] =	vst v3;
	v3 =	vadd.s32 $0xB4C00000, v25;
	v4 =	vadd.s32 $0xB4C00000, v8;
	v16 =	vld.idx.msk [tilespmem:v20+s3+$0x0], $0xffff  }
0x81: {  	s0 =	simm.s32 $0x580;
	s19 =	simm.s32 $0x10;
	s6 =	sadd.s32 s4, s9;
	v8 =	vadd.s32 $0xB4C00000, v24;
	[tilespmem:s18+$0xFFFFFFF0] =	vst v6;
	v6 =	vadd.s32 $0xB4C00000, v9;
	v9 =	vadd.f32 v60, v0;
	v19 =	vld.idx.msk [tilespmem:v63+s3+$0x0], $0xffff  }
.LBB2_3:
0x82: {  	v20 =	vld [tilespmem:s0+$0x70];
	s19 =	sadd.s32 $0x10, s19;
	v21 =	vadd.s32 $0xB4C00000, v12;
	v12 =	vadd.s32 $0xB4C00000, v10;
	v10 =	vadd.s32 $0xB4C00000, v17;
	[tilespmem:s18+$0x30] =	vst v13  }
0x83: {  	v9 =	vadd.s32 $0xB4C00000, v9;
	v5 =	vadd.s32 $0xB4C00000, v5;
	v13 =	vld [tilespmem:s0+$0xFFFFFF90];
	p1 =	slt.u32 s19, $0x1F0;
	[tilespmem:s18+$0x40] =	vst v14  }
0x84: {  	v14 =	vld [tilespmem:s0+$0xFFFFFFA0];
	[tilespmem:s18+$0x50] =	vst v15  }
0x85: {  	v15 =	vld [tilespmem:s0+$0xFFFFFFB0];
	[tilespmem:s18+$0x60] =	vst v18;
	s18 =	smov.u32 s10  }
0x86: {  	v17 =	vld [tilespmem:s0+$0xFFFFFFC0];
	[tilespmem:s10+$0xFFFFFF90] =	vst v16  }
0x87: {  	v16 =	vld [tilespmem:s0+$0xFFFFFFD0];
	v18 =	vmul.f32 $2.550000000e+02, v20;
	[tilespmem:s10+$0xFFFFFF80] =	vst v19  }
0x88: {  	v13 =	vmul.f32 $2.550000000e+02, v13;
	v19 =	vld [tilespmem:s0+$0xFFFFFFE0]  }
0x89: {  	v14 =	vmul.f32 $2.550000000e+02, v14;
	v20 =	vld [tilespmem:s0+$0xFFFFFFF0];
	v18 =	vmax.f32 v18, $0.0e+00  }
0x8a: {  	v13 =	vmax.f32 v13, $0.0e+00;
	v15 =	vmul.f32 $2.550000000e+02, v15;
	v22 =	vld [tilespmem:s0+$0x0];
	v18 =	vmin.f32 v18, $2.550000000e+02  }
0x8b: {  	v14 =	vmax.f32 v14, $0.0e+00;
	v17 =	vmul.f32 $2.550000000e+02, v17;
	v23 =	vld [tilespmem:s0+$0x10];
	v18 =	vadd.f32 v18, v0  }
0x8c: {  	v13 =	vmin.f32 v13, $2.550000000e+02;
	v15 =	vmax.f32 v15, $0.0e+00;
	v16 =	vmul.f32 $2.550000000e+02, v16;
	v24 =	vld [tilespmem:s0+$0x20]  }
0x8d: {  	v17 =	vmax.f32 v17, $0.0e+00;
	v19 =	vmul.f32 $2.550000000e+02, v19;
	v25 =	vld [tilespmem:s0+$0x30];
	v18 =	vadd.s32 $0xB4C00000, v18  }
0x8e: {  	v14 =	vmin.f32 v14, $2.550000000e+02;
	v16 =	vmax.f32 v16, $0.0e+00;
	v20 =	vmul.f32 $2.550000000e+02, v20;
	v26 =	vld [tilespmem:s0+$0x40]  }
0x8f: {  	v15 =	vmin.f32 v15, $2.550000000e+02;
	v19 =	vmax.f32 v19, $0.0e+00;
	v22 =	vmul.f32 $2.550000000e+02, v22;
	v27 =	vld [tilespmem:s0+$0x50]  }
0x90: {  	v17 =	vmin.f32 v17, $2.550000000e+02;
	v20 =	vmax.f32 v20, $0.0e+00;
	v23 =	vmul.f32 $2.550000000e+02, v23;
	v28 =	vld [tilespmem:s0+$0x60]  }
0x91: {  	v16 =	vmin.f32 v16, $2.550000000e+02;
	v29 =	vld [tilespmem:s0+$0xFFFFFF80];
	v22 =	vmax.f32 v22, $0.0e+00;
	v24 =	vmul.f32 $2.550000000e+02, v24  }
0x92: {  	v19 =	vmin.f32 v19, $2.550000000e+02;
	v23 =	vmax.f32 v23, $0.0e+00;
	v25 =	vmul.f32 $2.550000000e+02, v25;
	v18 =	vld.idx.msk [tilespmem:v18+s3+$0x0], $0xffff  }
0x93: {  	v20 =	vmin.f32 v20, $2.550000000e+02;
	v24 =	vmax.f32 v24, $0.0e+00;
	v26 =	vmul.f32 $2.550000000e+02, v26;
	v2 =	vld.idx.msk [tilespmem:v2+s3+$0x0], $0xffff  }
0x94: {  	v22 =	vmin.f32 v22, $2.550000000e+02;
	v25 =	vmax.f32 v25, $0.0e+00;
	v27 =	vmul.f32 $2.550000000e+02, v27;
	v4 =	vld.idx.msk [tilespmem:v4+s3+$0x0], $0xffff  }
0x95: {  	v23 =	vmin.f32 v23, $2.550000000e+02;
	v26 =	vmax.f32 v26, $0.0e+00;
	v28 =	vmul.f32 $2.550000000e+02, v28;
	v6 =	vld.idx.msk [tilespmem:v6+s3+$0x0], $0xffff  }
0x96: {  	v24 =	vmin.f32 v24, $2.550000000e+02;
	v29 =	vmul.f32 $2.550000000e+02, v29;
	v27 =	vmax.f32 v27, $0.0e+00;
	v11 =	vld.idx.msk [tilespmem:v11+s3+$0x0], $0xffff  }
0x97: {  	s10 =	sadd.s32 $0x100, s10;
	v25 =	vmin.f32 v25, $2.550000000e+02;
	v26 =	vmin.f32 v26, $2.550000000e+02;
	v28 =	vmax.f32 v28, $0.0e+00;
	v7 =	vld.idx.msk [tilespmem:v7+s3+$0x0], $0xffff  }
0x98: {  	v27 =	vmin.f32 v27, $2.550000000e+02;
	v29 =	vmax.f32 v29, $0.0e+00;
	v28 =	vmin.f32 v28, $2.550000000e+02;
	[tilespmem:s10+$0x70] =	vst v18;
	v8 =	vld.idx.msk [tilespmem:v8+s3+$0x0], $0xffff  }
0x99: {  	v13 =	vadd.f32 v13, v0;
	v14 =	vadd.f32 v14, v0;
	v18 =	vmin.f32 v29, $2.550000000e+02;
	[tilespmem:s18+$0xFFFFFFA0] =	vst v2;
	v3 =	vld.idx.msk [tilespmem:v3+s3+$0x0], $0xffff  }
0x9a: {  	v15 =	vadd.f32 v15, v0;
	v2 =	vadd.f32 v18, v0;
	[tilespmem:s18+$0xFFFFFFB0] =	vst v4;
	v1 =	vld.idx.msk [tilespmem:v1+s3+$0x0], $0xffff  }
0x9b: {  	v17 =	vadd.f32 v17, v0;
	v30 =	vadd.f32 v16, v0;
	v29 =	vadd.s32 $0xB4C00000, v13;
	[tilespmem:s18+$0xFFFFFFC0] =	vst v6;
	v21 =	vld.idx.msk [tilespmem:v21+s3+$0x0], $0xffff  }
0x9c: {  	v19 =	vadd.f32 v19, v0;
	v20 =	vadd.f32 v20, v0;
	v31 =	vadd.s32 $0xB4C00000, v2;
	[tilespmem:s18+$0xFFFFFFD0] =	vst v11;
	v13 =	vld.idx.msk [tilespmem:v12+s3+$0x0], $0xffff  }
.Ltmp2:
0x9d: {  	v22 =	vadd.f32 v22, v0;
	v23 =	vadd.f32 v23, v0;
	v2 =	vadd.s32 $0xB4C00000, v14;
	[tilespmem:s18+$0xFFFFFFE0] =	vst v7;
	v14 =	vld.idx.msk [tilespmem:v10+s3+$0x0], $0xffff;
	(pc) =	sbr.rel @p1 .LBB2_3-.Ltmp2, $4  }
0x9e: {  	v4 =	vadd.s32 $0xB4C00000, v15;
	v12 =	vadd.f32 v24, v0;
	v10 =	vadd.f32 v25, v0;
	[tilespmem:s18+$0xFFFFFFF0] =	vst v8;
	v15 =	vld.idx.msk [tilespmem:v9+s3+$0x0], $0xffff  }
0x9f: {  	v6 =	vadd.s32 $0xB4C00000, v17;
	v17 =	vadd.f32 v26, v0;
	v9 =	vadd.f32 v27, v0;
	[tilespmem:s18+$0x0] =	vst v3;
	v18 =	vld.idx.msk [tilespmem:v5+s3+$0x0], $0xffff  }
0xa0: {  	v11 =	vadd.s32 $0xB4C00000, v30;
	v7 =	vadd.s32 $0xB4C00000, v19;
	v5 =	vadd.f32 v28, v0;
	v16 =	vld.idx.msk [tilespmem:v29+s3+$0x0], $0xffff;
	[tilespmem:s18+$0x10] =	vst v1  }
0xa1: {  	s0 =	sadd.s32 $0x100, s0;
	v8 =	vadd.s32 $0xB4C00000, v20;
	v3 =	vadd.s32 $0xB4C00000, v22;
	v1 =	vadd.s32 $0xB4C00000, v23;
	v19 =	vld.idx.msk [tilespmem:v31+s3+$0x0], $0xffff;
	[tilespmem:s18+$0x20] =	vst v21  }
0xa2: {  	_ =	sdelay $0x2  }
0xa3: {  	[tilespmem:s18+$0x30] =	vst v13  }
0xa4: {  	[tilespmem:s18+$0x40] =	vst v14;
	v2 =	vld.idx.msk [tilespmem:v2+s3+$0x0], $0xffff  }
0xa5: {  	v4 =	vld.idx.msk [tilespmem:v4+s3+$0x0], $0xffff;
	[tilespmem:s18+$0x50] =	vst v15  }
0xa6: {  	v6 =	vld.idx.msk [tilespmem:v6+s3+$0x0], $0xffff;
	[tilespmem:s18+$0x60] =	vst v18  }
0xa7: {  	v12 =	vadd.s32 $0xB4C00000, v12;
	v11 =	vld.idx.msk [tilespmem:v11+s3+$0x0], $0xffff;
	[tilespmem:s10+$0xFFFFFF90] =	vst v16  }
0xa8: {  	v10 =	vadd.s32 $0xB4C00000, v10;
	v7 =	vld.idx.msk [tilespmem:v7+s3+$0x0], $0xffff;
	[tilespmem:s10+$0xFFFFFF80] =	vst v19  }
0xa9: {  	v13 =	vadd.s32 $0xB4C00000, v17;
	v8 =	vld.idx.msk [tilespmem:v8+s3+$0x0], $0xffff;
	[tilespmem:s10+$0xFFFFFFA0] =	vst v2  }
0xaa: {  	v3 =	vld.idx.msk [tilespmem:v3+s3+$0x0], $0xffff;
	v2 =	vadd.s32 $0xB4C00000, v9;
	[tilespmem:s10+$0xFFFFFFB0] =	vst v4  }
0xab: {  	v1 =	vld.idx.msk [tilespmem:v1+s3+$0x0], $0xffff;
	v4 =	vadd.s32 $0xB4C00000, v5;
	[tilespmem:s10+$0xFFFFFFC0] =	vst v6  }
0xac: {  	v5 =	vld.idx.msk [tilespmem:v12+s3+$0x0], $0xffff;
	[tilespmem:s10+$0xFFFFFFD0] =	vst v11  }
0xad: {  	v6 =	vld.idx.msk [tilespmem:v10+s3+$0x0], $0xffff;
	[tilespmem:s10+$0xFFFFFFE0] =	vst v7  }
0xae: {  	v7 =	vld.idx.msk [tilespmem:v13+s3+$0x0], $0xffff;
	[tilespmem:s10+$0xFFFFFFF0] =	vst v8  }
0xaf: {  	[tilespmem:s10+$0x0] =	vst v3;
	v2 =	vld.idx.msk [tilespmem:v2+s3+$0x0], $0xffff  }
0xb0: {  	[tilespmem:s10+$0x10] =	vst v1;
	v3 =	vld.idx.msk [tilespmem:v4+s3+$0x0], $0xffff  }
0xb1: {  	[tilespmem:s10+$0x20] =	vst v5  }
0xb2: {  	[tilespmem:s10+$0x30] =	vst v6  }
0xb3: {  	[tilespmem:s10+$0x40] =	vst v7  }
0xb4: {  	s0 =	sshrl.u32 s6, $0x3;
	[tilespmem:s10+$0x50] =	vst v2  }
0xb5: {  	p1 =	seq.s32 s8, $0x17;
	s0 =	sadd.s32 s5, s0;
	[tilespmem:s10+$0x60] =	vst v3  }
0xb6: {  	[hbm4b:s0+s3] =	stream.linear.scatter [tilespmem:s25], [sflag:$0x5], $0x2000, $0x38;
	[tilespmem:$0x10300] =	vst v63  }
0xb7: {  	s0 =	sadd.s32 @!p1 s9, s11  }
0xb8: {  	s0 =	sshrl.u32 @!p1 s0, $0x3  }
0xb9: {  	s6 =	simm.s32 @!p1 $0x0;
	s10 =	simm.s32 @!p1 $0x300;
	s0 =	sadd.s32 @!p1 s2, s0  }
0xba: {  	[tilespmem:s10], [sflag:$0x1] =	stream.linear.gather @!p1 [hbm4b:s0+s6], $0x2000, $0x38;
	[tilespmem:$0x10300] =	vst v63  }
0xbb: {  	_ =	swait.ge [sflag:s26], $0x2000  }
0xbc: {  	[sflag:s26] =	ssyncset.done $0x0  }
0xbd: {  	s0 =	simm.s32 @!p0 $0x6;
	[sflag:s26] =	ssyncadd.s32 $0xFFFFE000  }
0xbe: {  	_ =	swait.ge @!p0 [sflag:s0], $0x2000  }
0xbf: {  	[sflag:s0] =	ssyncset.done @!p0 $0x0  }
0xc0: {  	s18 =	simm.s32 $0x2380;
	[sflag:s0] =	ssyncadd.s32 @!p0 $0xFFFFE000  }
0xc1: {  	v1 =	vld [tilespmem:s18+$0x70]  }
0xc2: {  	v2 =	vld [tilespmem:s18+$0xFFFFFF90]  }
0xc3: {  	v3 =	vld [tilespmem:s18+$0xFFFFFFA0]  }
0xc4: {  	v4 =	vld [tilespmem:s18+$0xFFFFFFB0]  }
0xc5: {  	v5 =	vld [tilespmem:s18+$0xFFFFFFC0]  }
0xc6: {  	v6 =	vld [tilespmem:s18+$0xFFFFFFD0]  }
0xc7: {  	v7 =	vld [tilespmem:s18+$0xFFFFFFE0]  }
0xc8: {  	v8 =	vld [tilespmem:s18+$0xFFFFFFF0]  }
0xc9: {  	v9 =	vld [tilespmem:s18+$0x0]  }
0xca: {  	v10 =	vld [tilespmem:s18+$0x10]  }
0xcb: {  	v11 =	vld [tilespmem:s18+$0xFFFFFF80]  }
0xcc: {  	v12 =	vld [tilespmem:s18+$0x20]  }
0xcd: {  	v13 =	vld [tilespmem:s18+$0x30]  }
0xce: {  	v14 =	vld [tilespmem:s18+$0x40]  }
0xcf: {  	v15 =	vld [tilespmem:s18+$0x50]  }
0xd0: {  	s19 =	simm.s32 $0x2480;
	v16 =	vld [tilespmem:s18+$0x60]  }
0xd1: {  	v17 =	vld [tilespmem:s19+$0x70]  }
0xd2: {  	v18 =	vld [tilespmem:s19+$0xFFFFFF90]  }
0xd3: {  	v19 =	vld [tilespmem:s19+$0xFFFFFFA0]  }
0xd4: {  	v20 =	vld [tilespmem:s19+$0xFFFFFFB0];
	v1 =	vmul.f32 $2.550000000e+02, v1  }
0xd5: {  	v21 =	vld [tilespmem:s19+$0xFFFFFFC0];
	v2 =	vmul.f32 $2.550000000e+02, v2;
	v3 =	vmul.f32 $2.550000000e+02, v3  }
0xd6: {  	v22 =	vld [tilespmem:s19+$0xFFFFFFD0];
	v4 =	vmul.f32 $2.550000000e+02, v4;
	v5 =	vmul.f32 $2.550000000e+02, v5  }
0xd7: {  	v23 =	vld [tilespmem:s19+$0xFFFFFFE0];
	v6 =	vmul.f32 $2.550000000e+02, v6;
	v7 =	vmul.f32 $2.550000000e+02, v7  }
0xd8: {  	v24 =	vld [tilespmem:s19+$0xFFFFFFF0];
	v8 =	vmul.f32 $2.550000000e+02, v8;
	v9 =	vmul.f32 $2.550000000e+02, v9  }
0xd9: {  	v25 =	vld [tilespmem:s19+$0x0];
	v10 =	vmul.f32 $2.550000000e+02, v10;
	v11 =	vmul.f32 $2.550000000e+02, v11  }
0xda: {  	v26 =	vld [tilespmem:s19+$0x10];
	v12 =	vmul.f32 $2.550000000e+02, v12;
	v13 =	vmul.f32 $2.550000000e+02, v13  }
0xdb: {  	v27 =	vld [tilespmem:s19+$0x20];
	v14 =	vmul.f32 $2.550000000e+02, v14;
	v15 =	vmul.f32 $2.550000000e+02, v15  }
0xdc: {  	v28 =	vld [tilespmem:s19+$0x30];
	v16 =	vmul.f32 $2.550000000e+02, v16;
	v17 =	vmul.f32 $2.550000000e+02, v17  }
0xdd: {  	v29 =	vld [tilespmem:s19+$0x40];
	v18 =	vmul.f32 $2.550000000e+02, v18;
	v19 =	vmul.f32 $2.550000000e+02, v19  }
0xde: {  	v32 =	vld [tilespmem:s19+$0xFFFFFF80];
	v20 =	vmul.f32 $2.550000000e+02, v20;
	v21 =	vmul.f32 $2.550000000e+02, v21  }
0xdf: {  	v22 =	vmul.f32 $2.550000000e+02, v22;
	v23 =	vmul.f32 $2.550000000e+02, v23  }
0xe0: {  	v24 =	vmul.f32 $2.550000000e+02, v24;
	v25 =	vmul.f32 $2.550000000e+02, v25  }
0xe1: {  	v26 =	vmul.f32 $2.550000000e+02, v26;
	v27 =	vmul.f32 $2.550000000e+02, v27  }
0xe2: {  	v28 =	vmul.f32 $2.550000000e+02, v28;
	v29 =	vmul.f32 $2.550000000e+02, v29  }
0xe3: {  	v53 =	vmul.f32 $2.550000000e+02, v32;
	v1 =	vmax.f32 v1, $0.0e+00;
	v2 =	vmax.f32 v2, $0.0e+00  }
0xe4: {  	v3 =	vmax.f32 v3, $0.0e+00;
	v4 =	vmax.f32 v4, $0.0e+00;
	v5 =	vmax.f32 v5, $0.0e+00  }
0xe5: {  	v6 =	vmax.f32 v6, $0.0e+00;
	v7 =	vmax.f32 v7, $0.0e+00;
	v8 =	vmax.f32 v8, $0.0e+00  }
0xe6: {  	v9 =	vmax.f32 v9, $0.0e+00;
	v10 =	vmax.f32 v10, $0.0e+00;
	v11 =	vmax.f32 v11, $0.0e+00  }
0xe7: {  	v12 =	vmax.f32 v12, $0.0e+00;
	v13 =	vmax.f32 v13, $0.0e+00;
	v14 =	vmax.f32 v14, $0.0e+00  }
0xe8: {  	v15 =	vmax.f32 v15, $0.0e+00;
	v16 =	vmax.f32 v16, $0.0e+00;
	v17 =	vmax.f32 v17, $0.0e+00  }
0xe9: {  	v18 =	vmax.f32 v18, $0.0e+00;
	v19 =	vmax.f32 v19, $0.0e+00;
	v20 =	vmax.f32 v20, $0.0e+00  }
0xea: {  	v21 =	vmax.f32 v21, $0.0e+00;
	v22 =	vmax.f32 v22, $0.0e+00;
	v23 =	vmax.f32 v23, $0.0e+00  }
0xeb: {  	v24 =	vmax.f32 v24, $0.0e+00;
	v25 =	vmax.f32 v25, $0.0e+00;
	v26 =	vmax.f32 v26, $0.0e+00  }
0xec: {  	v27 =	vmax.f32 v27, $0.0e+00;
	v28 =	vmax.f32 v28, $0.0e+00;
	v29 =	vmax.f32 v29, $0.0e+00  }
0xed: {  	v55 =	vmax.f32 v53, $0.0e+00;
	v1 =	vmin.f32 v1, $2.550000000e+02;
	v2 =	vmin.f32 v2, $2.550000000e+02  }
0xee: {  	v3 =	vmin.f32 v3, $2.550000000e+02;
	v4 =	vmin.f32 v4, $2.550000000e+02;
	v5 =	vmin.f32 v5, $2.550000000e+02  }
0xef: {  	v6 =	vmin.f32 v6, $2.550000000e+02;
	v7 =	vmin.f32 v7, $2.550000000e+02;
	v11 =	vmin.f32 v11, $2.550000000e+02  }
0xf0: {  	v8 =	vmin.f32 v8, $2.550000000e+02;
	v9 =	vmin.f32 v9, $2.550000000e+02;
	v10 =	vmin.f32 v10, $2.550000000e+02  }
0xf1: {  	v12 =	vmin.f32 v12, $2.550000000e+02;
	v13 =	vmin.f32 v13, $2.550000000e+02;
	v14 =	vmin.f32 v14, $2.550000000e+02  }
0xf2: {  	v15 =	vmin.f32 v15, $2.550000000e+02;
	v16 =	vmin.f32 v16, $2.550000000e+02;
	v17 =	vmin.f32 v17, $2.550000000e+02  }
0xf3: {  	v18 =	vmin.f32 v18, $2.550000000e+02;
	v19 =	vmin.f32 v19, $2.550000000e+02;
	v1 =	vadd.f32 v1, v0  }
0xf4: {  	v20 =	vmin.f32 v20, $2.550000000e+02;
	v21 =	vmin.f32 v21, $2.550000000e+02;
	v2 =	vadd.f32 v2, v0  }
0xf5: {  	v22 =	vmin.f32 v22, $2.550000000e+02;
	v11 =	vadd.f32 v11, v0;
	v1 =	vadd.s32 $0xB4C00000, v1  }
0xf6: {  	v23 =	vmin.f32 v23, $2.550000000e+02;
	v17 =	vadd.f32 v17, v0;
	v2 =	vadd.s32 $0xB4C00000, v2  }
0xf7: {  	v24 =	vmin.f32 v24, $2.550000000e+02;
	v3 =	vadd.f32 v3, v0;
	v11 =	vadd.s32 $0xB4C00000, v11  }
0xf8: {  	v30 =	vld [tilespmem:s19+$0x50];
	v25 =	vmin.f32 v25, $2.550000000e+02;
	v4 =	vadd.f32 v4, v0;
	v17 =	vadd.s32 $0xB4C00000, v17  }
0xf9: {  	v31 =	vld [tilespmem:s19+$0x60];
	v26 =	vmin.f32 v26, $2.550000000e+02;
	v5 =	vadd.f32 v5, v0;
	v3 =	vadd.s32 $0xB4C00000, v3  }
0xfa: {  	v27 =	vmin.f32 v27, $2.550000000e+02;
	v6 =	vadd.f32 v6, v0;
	v4 =	vadd.s32 $0xB4C00000, v4;
	v1 =	vld.idx.msk [tilespmem:v1+s3+$0x0], $0xffff  }
0xfb: {  	v54 =	vmin.f32 v29, $2.550000000e+02;
	v7 =	vadd.f32 v7, v0;
	v5 =	vadd.s32 $0xB4C00000, v5;
	v2 =	vld.idx.msk [tilespmem:v2+s3+$0x0], $0xffff  }
0xfc: {  	v8 =	vadd.f32 v8, v0;
	v9 =	vadd.f32 v9, v0;
	v6 =	vadd.s32 $0xB4C00000, v6;
	v11 =	vld.idx.msk [tilespmem:v11+s3+$0x0], $0xffff  }
0xfd: {  	v10 =	vadd.f32 v10, v0;
	v12 =	vadd.f32 v12, v0;
	v7 =	vadd.s32 $0xB4C00000, v7;
	v17 =	vld.idx.msk [tilespmem:v17+s3+$0x0], $0xffff  }
0xfe: {  	v13 =	vadd.f32 v13, v0;
	v14 =	vadd.f32 v14, v0;
	v8 =	vadd.s32 $0xB4C00000, v8;
	v3 =	vld.idx.msk [tilespmem:v3+s3+$0x0], $0xffff  }
0xff: {  	s18 =	simm.s32 $0xA380;
	v15 =	vadd.f32 v15, v0;
	v16 =	vadd.f32 v16, v0;
	v12 =	vadd.s32 $0xB4C00000, v12;
	v4 =	vld.idx.msk [tilespmem:v4+s3+$0x0], $0xffff  }
0x100: {  	v18 =	vadd.f32 v18, v0;
	v19 =	vadd.f32 v19, v0;
	v13 =	vadd.s32 $0xB4C00000, v13;
	v5 =	vld.idx.msk [tilespmem:v5+s3+$0x0], $0xffff;
	[tilespmem:s18+$0x70] =	vst v1  }
0x101: {  	v58 =	vadd.f32 v22, v0;
	v61 =	vadd.f32 v24, v0;
	v9 =	vadd.s32 $0xB4C00000, v9;
	v6 =	vld.idx.msk [tilespmem:v6+s3+$0x0], $0xffff;
	[tilespmem:s18+$0xFFFFFF90] =	vst v2  }
0x102: {  	s10 =	simm.s32 $0xA480;
	v62 =	vadd.f32 v25, v0;
	v10 =	vadd.s32 $0xB4C00000, v10;
	v7 =	vld.idx.msk [tilespmem:v7+s3+$0x0], $0xffff;
	v2 =	vmul.f32 $2.550000000e+02, v31;
	[tilespmem:s18+$0xFFFFFF80] =	vst v11  }
0x103: {  	v63 =	vadd.f32 v26, v0;
	v14 =	vadd.s32 $0xB4C00000, v14;
	v15 =	vadd.s32 $0xB4C00000, v15;
	v8 =	vld.idx.msk [tilespmem:v8+s3+$0x0], $0xffff;
	[tilespmem:s10+$0x70] =	vst v17  }
0x104: {  	v16 =	vadd.s32 $0xB4C00000, v16;
	v59 =	vld.idx.msk [tilespmem:v12+s3+$0x0], $0xffff;
	v17 =	vmin.f32 v55, $2.550000000e+02;
	[tilespmem:s18+$0xFFFFFFA0] =	vst v3;
	v2 =	vmax.f32 v2, $0.0e+00  }
0x105: {  	v57 =	vadd.s32 $0xB4C00000, v18;
	v13 =	vld.idx.msk [tilespmem:v13+s3+$0x0], $0xffff;
	[tilespmem:s18+$0xFFFFFFB0] =	vst v4;
	v56 =	vmin.f32 v2, $2.550000000e+02;
	v2 =	vadd.f32 v17, v0  }
0x106: {  	v12 =	vadd.f32 v27, v0;
	v1 =	vmul.f32 $2.550000000e+02, v30;
	v11 =	vmin.f32 v28, $2.550000000e+02;
	v3 =	vld.idx.msk [tilespmem:v9+s3+$0x0], $0xffff;
	[tilespmem:s18+$0xFFFFFFC0] =	vst v5  }
0x107: {  	v9 =	vadd.f32 v20, v0;
	v20 =	vld.idx.msk [tilespmem:v10+s3+$0x0], $0xffff;
	v5 =	vadd.f32 v23, v0;
	[tilespmem:s18+$0xFFFFFFD0] =	vst v6;
	v60 =	vadd.s32 $0xB4C00000, v2  }
0x108: {  	v14 =	vld.idx.msk [tilespmem:v14+s3+$0x0], $0xffff;
	[tilespmem:s18+$0xFFFFFFF0] =	vst v8;
	v8 =	vadd.s32 $0xB4C00000, v61;
	v10 =	vadd.f32 v11, v0;
	v1 =	vmax.f32 v1, $0.0e+00  }
0x109: {  	v15 =	vld.idx.msk [tilespmem:v15+s3+$0x0], $0xffff;
	[tilespmem:s18+$0xFFFFFFE0] =	vst v7;
	v11 =	vadd.s32 $0xB4C00000, v58;
	v1 =	vmin.f32 v1, $2.550000000e+02;
	v17 =	vadd.f32 v21, v0  }
0x10a: {  	v18 =	vld.idx.msk [tilespmem:v16+s3+$0x0], $0xffff;
	[tilespmem:s18+$0x20] =	vst v59;
	v4 =	vadd.s32 $0xB4C00000, v9;
	v6 =	vadd.s32 $0xB4C00000, v5;
	v9 =	vadd.f32 v1, v0  }
0x10b: {  	v16 =	vld.idx.msk [tilespmem:v57+s3+$0x0], $0xffff;
	v5 =	vadd.f32 v56, v0;
	v7 =	vadd.s32 $0xB4C00000, v17;
	v17 =	vadd.f32 v54, v0;
	[tilespmem:s18+$0x0] =	vst v3  }
0x10c: {  	s6 =	sadd.s32 s9, s12;
	s0 =	simm.s32 $0x2580;
	s19 =	simm.s32 $0x10;
	v1 =	vadd.s32 $0xB4C00000, v63;
	v2 =	vadd.s32 $0xB4C00000, v19;
	[tilespmem:s18+$0x10] =	vst v20;
	v3 =	vadd.s32 $0xB4C00000, v62;
	v19 =	vld.idx.msk [tilespmem:v60+s3+$0x0], $0xffff  }
.LBB2_5:
0x10d: {  	v20 =	vld [tilespmem:s0+$0x70];
	s19 =	sadd.s32 $0x10, s19;
	v21 =	vadd.s32 $0xB4C00000, v12;
	v12 =	vadd.s32 $0xB4C00000, v10;
	v10 =	vadd.s32 $0xB4C00000, v17;
	[tilespmem:s18+$0x30] =	vst v13  }
0x10e: {  	v9 =	vadd.s32 $0xB4C00000, v9;
	v5 =	vadd.s32 $0xB4C00000, v5;
	v13 =	vld [tilespmem:s0+$0xFFFFFF90];
	p2 =	slt.u32 s19, $0x1F0;
	[tilespmem:s18+$0x40] =	vst v14  }
0x10f: {  	v14 =	vld [tilespmem:s0+$0xFFFFFFA0];
	[tilespmem:s18+$0x50] =	vst v15  }
0x110: {  	v15 =	vld [tilespmem:s0+$0xFFFFFFB0];
	[tilespmem:s18+$0x60] =	vst v18;
	s18 =	smov.u32 s10  }
0x111: {  	v17 =	vld [tilespmem:s0+$0xFFFFFFC0];
	[tilespmem:s10+$0xFFFFFF90] =	vst v16  }
0x112: {  	v16 =	vld [tilespmem:s0+$0xFFFFFFD0];
	v18 =	vmul.f32 $2.550000000e+02, v20;
	[tilespmem:s10+$0xFFFFFF80] =	vst v19  }
0x113: {  	v13 =	vmul.f32 $2.550000000e+02, v13;
	v19 =	vld [tilespmem:s0+$0xFFFFFFE0]  }
0x114: {  	v14 =	vmul.f32 $2.550000000e+02, v14;
	v20 =	vld [tilespmem:s0+$0xFFFFFFF0];
	v18 =	vmax.f32 v18, $0.0e+00  }
0x115: {  	v13 =	vmax.f32 v13, $0.0e+00;
	v15 =	vmul.f32 $2.550000000e+02, v15;
	v22 =	vld [tilespmem:s0+$0x0];
	v18 =	vmin.f32 v18, $2.550000000e+02  }
0x116: {  	v14 =	vmax.f32 v14, $0.0e+00;
	v17 =	vmul.f32 $2.550000000e+02, v17;
	v23 =	vld [tilespmem:s0+$0x10];
	v18 =	vadd.f32 v18, v0  }
0x117: {  	v13 =	vmin.f32 v13, $2.550000000e+02;
	v15 =	vmax.f32 v15, $0.0e+00;
	v16 =	vmul.f32 $2.550000000e+02, v16;
	v24 =	vld [tilespmem:s0+$0x20]  }
0x118: {  	v17 =	vmax.f32 v17, $0.0e+00;
	v19 =	vmul.f32 $2.550000000e+02, v19;
	v25 =	vld [tilespmem:s0+$0x30];
	v18 =	vadd.s32 $0xB4C00000, v18  }
0x119: {  	v14 =	vmin.f32 v14, $2.550000000e+02;
	v16 =	vmax.f32 v16, $0.0e+00;
	v20 =	vmul.f32 $2.550000000e+02, v20;
	v26 =	vld [tilespmem:s0+$0x40]  }
0x11a: {  	v15 =	vmin.f32 v15, $2.550000000e+02;
	v19 =	vmax.f32 v19, $0.0e+00;
	v22 =	vmul.f32 $2.550000000e+02, v22;
	v27 =	vld [tilespmem:s0+$0x50]  }
0x11b: {  	v17 =	vmin.f32 v17, $2.550000000e+02;
	v20 =	vmax.f32 v20, $0.0e+00;
	v23 =	vmul.f32 $2.550000000e+02, v23;
	v28 =	vld [tilespmem:s0+$0x60]  }
0x11c: {  	v16 =	vmin.f32 v16, $2.550000000e+02;
	v29 =	vld [tilespmem:s0+$0xFFFFFF80];
	v22 =	vmax.f32 v22, $0.0e+00;
	v24 =	vmul.f32 $2.550000000e+02, v24  }
0x11d: {  	v19 =	vmin.f32 v19, $2.550000000e+02;
	v23 =	vmax.f32 v23, $0.0e+00;
	v25 =	vmul.f32 $2.550000000e+02, v25;
	v18 =	vld.idx.msk [tilespmem:v18+s3+$0x0], $0xffff  }
0x11e: {  	v20 =	vmin.f32 v20, $2.550000000e+02;
	v24 =	vmax.f32 v24, $0.0e+00;
	v26 =	vmul.f32 $2.550000000e+02, v26;
	v2 =	vld.idx.msk [tilespmem:v2+s3+$0x0], $0xffff  }
0x11f: {  	v22 =	vmin.f32 v22, $2.550000000e+02;
	v25 =	vmax.f32 v25, $0.0e+00;
	v27 =	vmul.f32 $2.550000000e+02, v27;
	v4 =	vld.idx.msk [tilespmem:v4+s3+$0x0], $0xffff  }
0x120: {  	v23 =	vmin.f32 v23, $2.550000000e+02;
	v26 =	vmax.f32 v26, $0.0e+00;
	v28 =	vmul.f32 $2.550000000e+02, v28;
	v7 =	vld.idx.msk [tilespmem:v7+s3+$0x0], $0xffff  }
0x121: {  	v24 =	vmin.f32 v24, $2.550000000e+02;
	v29 =	vmul.f32 $2.550000000e+02, v29;
	v27 =	vmax.f32 v27, $0.0e+00;
	v11 =	vld.idx.msk [tilespmem:v11+s3+$0x0], $0xffff  }
0x122: {  	s10 =	sadd.s32 $0x100, s10;
	v25 =	vmin.f32 v25, $2.550000000e+02;
	v26 =	vmin.f32 v26, $2.550000000e+02;
	v28 =	vmax.f32 v28, $0.0e+00;
	v6 =	vld.idx.msk [tilespmem:v6+s3+$0x0], $0xffff  }
0x123: {  	v27 =	vmin.f32 v27, $2.550000000e+02;
	v29 =	vmax.f32 v29, $0.0e+00;
	v28 =	vmin.f32 v28, $2.550000000e+02;
	[tilespmem:s10+$0x70] =	vst v18;
	v8 =	vld.idx.msk [tilespmem:v8+s3+$0x0], $0xffff  }
0x124: {  	v13 =	vadd.f32 v13, v0;
	v14 =	vadd.f32 v14, v0;
	v18 =	vmin.f32 v29, $2.550000000e+02;
	[tilespmem:s18+$0xFFFFFFA0] =	vst v2;
	v3 =	vld.idx.msk [tilespmem:v3+s3+$0x0], $0xffff  }
0x125: {  	v15 =	vadd.f32 v15, v0;
	v2 =	vadd.f32 v18, v0;
	[tilespmem:s18+$0xFFFFFFB0] =	vst v4;
	v1 =	vld.idx.msk [tilespmem:v1+s3+$0x0], $0xffff  }
0x126: {  	v17 =	vadd.f32 v17, v0;
	v30 =	vadd.f32 v16, v0;
	v29 =	vadd.s32 $0xB4C00000, v13;
	[tilespmem:s18+$0xFFFFFFC0] =	vst v7;
	v21 =	vld.idx.msk [tilespmem:v21+s3+$0x0], $0xffff  }
0x127: {  	v19 =	vadd.f32 v19, v0;
	v20 =	vadd.f32 v20, v0;
	v31 =	vadd.s32 $0xB4C00000, v2;
	[tilespmem:s18+$0xFFFFFFD0] =	vst v11;
	v13 =	vld.idx.msk [tilespmem:v12+s3+$0x0], $0xffff  }
.Ltmp3:
0x128: {  	v22 =	vadd.f32 v22, v0;
	v23 =	vadd.f32 v23, v0;
	v2 =	vadd.s32 $0xB4C00000, v14;
	[tilespmem:s18+$0xFFFFFFE0] =	vst v6;
	v14 =	vld.idx.msk [tilespmem:v10+s3+$0x0], $0xffff;
	(pc) =	sbr.rel @p2 .LBB2_5-.Ltmp3, $4  }
0x129: {  	v4 =	vadd.s32 $0xB4C00000, v15;
	v12 =	vadd.f32 v24, v0;
	v10 =	vadd.f32 v25, v0;
	[tilespmem:s18+$0xFFFFFFF0] =	vst v8;
	v15 =	vld.idx.msk [tilespmem:v9+s3+$0x0], $0xffff  }
0x12a: {  	v7 =	vadd.s32 $0xB4C00000, v17;
	v17 =	vadd.f32 v26, v0;
	v9 =	vadd.f32 v27, v0;
	[tilespmem:s18+$0x0] =	vst v3;
	v18 =	vld.idx.msk [tilespmem:v5+s3+$0x0], $0xffff  }
0x12b: {  	v11 =	vadd.s32 $0xB4C00000, v30;
	v6 =	vadd.s32 $0xB4C00000, v19;
	v5 =	vadd.f32 v28, v0;
	v16 =	vld.idx.msk [tilespmem:v29+s3+$0x0], $0xffff;
	[tilespmem:s18+$0x10] =	vst v1  }
0x12c: {  	s0 =	sadd.s32 $0x100, s0;
	v8 =	vadd.s32 $0xB4C00000, v20;
	v3 =	vadd.s32 $0xB4C00000, v22;
	v1 =	vadd.s32 $0xB4C00000, v23;
	v19 =	vld.idx.msk [tilespmem:v31+s3+$0x0], $0xffff;
	[tilespmem:s18+$0x20] =	vst v21  }
0x12d: {  	_ =	sdelay $0x2  }
0x12e: {  	[tilespmem:s18+$0x30] =	vst v13  }
0x12f: {  	[tilespmem:s18+$0x40] =	vst v14;
	v2 =	vld.idx.msk [tilespmem:v2+s3+$0x0], $0xffff  }
0x130: {  	v4 =	vld.idx.msk [tilespmem:v4+s3+$0x0], $0xffff;
	[tilespmem:s18+$0x50] =	vst v15  }
0x131: {  	v7 =	vld.idx.msk [tilespmem:v7+s3+$0x0], $0xffff;
	[tilespmem:s18+$0x60] =	vst v18  }
0x132: {  	v12 =	vadd.s32 $0xB4C00000, v12;
	v11 =	vld.idx.msk [tilespmem:v11+s3+$0x0], $0xffff;
	[tilespmem:s10+$0xFFFFFF90] =	vst v16  }
0x133: {  	v10 =	vadd.s32 $0xB4C00000, v10;
	v6 =	vld.idx.msk [tilespmem:v6+s3+$0x0], $0xffff;
	[tilespmem:s10+$0xFFFFFF80] =	vst v19  }
0x134: {  	v13 =	vadd.s32 $0xB4C00000, v17;
	v8 =	vld.idx.msk [tilespmem:v8+s3+$0x0], $0xffff;
	[tilespmem:s10+$0xFFFFFFA0] =	vst v2  }
0x135: {  	v3 =	vld.idx.msk [tilespmem:v3+s3+$0x0], $0xffff;
	v2 =	vadd.s32 $0xB4C00000, v9;
	[tilespmem:s10+$0xFFFFFFB0] =	vst v4  }
0x136: {  	v1 =	vld.idx.msk [tilespmem:v1+s3+$0x0], $0xffff;
	v4 =	vadd.s32 $0xB4C00000, v5;
	[tilespmem:s10+$0xFFFFFFC0] =	vst v7  }
0x137: {  	v5 =	vld.idx.msk [tilespmem:v12+s3+$0x0], $0xffff;
	[tilespmem:s10+$0xFFFFFFD0] =	vst v11  }
0x138: {  	v7 =	vld.idx.msk [tilespmem:v10+s3+$0x0], $0xffff;
	[tilespmem:s10+$0xFFFFFFE0] =	vst v6  }
0x139: {  	v6 =	vld.idx.msk [tilespmem:v13+s3+$0x0], $0xffff;
	[tilespmem:s10+$0xFFFFFFF0] =	vst v8  }
0x13a: {  	[tilespmem:s10+$0x0] =	vst v3;
	v2 =	vld.idx.msk [tilespmem:v2+s3+$0x0], $0xffff  }
0x13b: {  	[tilespmem:s10+$0x10] =	vst v1;
	v3 =	vld.idx.msk [tilespmem:v4+s3+$0x0], $0xffff  }
0x13c: {  	[tilespmem:s10+$0x20] =	vst v5  }
0x13d: {  	[tilespmem:s10+$0x30] =	vst v7  }
0x13e: {  	[tilespmem:s10+$0x40] =	vst v6  }
0x13f: {  	s0 =	sshrl.u32 s6, $0x3;
	[tilespmem:s10+$0x50] =	vst v2  }
0x140: {  	s0 =	sadd.s32 s5, s0;
	[tilespmem:s10+$0x60] =	vst v3  }
0x141: {  	[hbm4b:s0+s3] =	stream.linear.scatter [tilespmem:s28], [sflag:$0x6], $0x2000, $0x38;
	[tilespmem:$0x10300] =	vst v63  }
0x142: {  	s0 =	sadd.s32 @!p1 s9, s13  }
0x143: {  	s0 =	sshrl.u32 @!p1 s0, $0x3  }
0x144: {  	s6 =	simm.s32 @!p1 $0x0;
	s10 =	simm.s32 @!p1 $0x2300;
	s0 =	sadd.s32 @!p1 s2, s0  }
0x145: {  	[tilespmem:s10], [sflag:$0x2] =	stream.linear.gather @!p1 [hbm4b:s0+s6], $0x2000, $0x38;
	[tilespmem:$0x10300] =	vst v63  }
0x146: {  	_ =	swait.ge [sflag:s29], $0x2000  }
0x147: {  	[sflag:s29] =	ssyncset.done $0x0  }
0x148: {  	s0 =	simm.s32 @!p0 $0x7;
	[sflag:s29] =	ssyncadd.s32 $0xFFFFE000  }
0x149: {  	_ =	swait.ge @!p0 [sflag:s0], $0x2000  }
0x14a: {  	[sflag:s0] =	ssyncset.done @!p0 $0x0  }
0x14b: {  	s18 =	simm.s32 $0x4380;
	[sflag:s0] =	ssyncadd.s32 @!p0 $0xFFFFE000  }
0x14c: {  	v1 =	vld [tilespmem:s18+$0x70]  }
0x14d: {  	v2 =	vld [tilespmem:s18+$0xFFFFFF90]  }
0x14e: {  	v3 =	vld [tilespmem:s18+$0xFFFFFFA0]  }
0x14f: {  	v4 =	vld [tilespmem:s18+$0xFFFFFFB0]  }
0x150: {  	v5 =	vld [tilespmem:s18+$0xFFFFFFC0]  }
0x151: {  	v6 =	vld [tilespmem:s18+$0xFFFFFFD0]  }
0x152: {  	v7 =	vld [tilespmem:s18+$0xFFFFFFE0]  }
0x153: {  	v8 =	vld [tilespmem:s18+$0xFFFFFFF0]  }
0x154: {  	v9 =	vld [tilespmem:s18+$0x0]  }
0x155: {  	v10 =	vld [tilespmem:s18+$0x10]  }
0x156: {  	v11 =	vld [tilespmem:s18+$0xFFFFFF80]  }
0x157: {  	v12 =	vld [tilespmem:s18+$0x20]  }
0x158: {  	v13 =	vld [tilespmem:s18+$0x30]  }
0x159: {  	v14 =	vld [tilespmem:s18+$0x40]  }
0x15a: {  	v15 =	vld [tilespmem:s18+$0x50]  }
0x15b: {  	s19 =	simm.s32 $0x4480;
	v16 =	vld [tilespmem:s18+$0x60]  }
0x15c: {  	v17 =	vld [tilespmem:s19+$0x70]  }
0x15d: {  	v18 =	vld [tilespmem:s19+$0xFFFFFF90]  }
0x15e: {  	v19 =	vld [tilespmem:s19+$0xFFFFFFA0]  }
0x15f: {  	v20 =	vld [tilespmem:s19+$0xFFFFFFB0];
	v1 =	vmul.f32 $2.550000000e+02, v1  }
0x160: {  	v21 =	vld [tilespmem:s19+$0xFFFFFFC0];
	v2 =	vmul.f32 $2.550000000e+02, v2;
	v3 =	vmul.f32 $2.550000000e+02, v3  }
0x161: {  	v22 =	vld [tilespmem:s19+$0xFFFFFFD0];
	v4 =	vmul.f32 $2.550000000e+02, v4;
	v5 =	vmul.f32 $2.550000000e+02, v5  }
0x162: {  	v23 =	vld [tilespmem:s19+$0xFFFFFFE0];
	v6 =	vmul.f32 $2.550000000e+02, v6;
	v7 =	vmul.f32 $2.550000000e+02, v7  }
0x163: {  	v24 =	vld [tilespmem:s19+$0xFFFFFFF0];
	v8 =	vmul.f32 $2.550000000e+02, v8;
	v9 =	vmul.f32 $2.550000000e+02, v9  }
0x164: {  	v25 =	vld [tilespmem:s19+$0x0];
	v10 =	vmul.f32 $2.550000000e+02, v10;
	v11 =	vmul.f32 $2.550000000e+02, v11  }
0x165: {  	v26 =	vld [tilespmem:s19+$0x10];
	v12 =	vmul.f32 $2.550000000e+02, v12;
	v13 =	vmul.f32 $2.550000000e+02, v13  }
0x166: {  	v27 =	vld [tilespmem:s19+$0x20];
	v14 =	vmul.f32 $2.550000000e+02, v14;
	v15 =	vmul.f32 $2.550000000e+02, v15  }
0x167: {  	v28 =	vld [tilespmem:s19+$0x30];
	v16 =	vmul.f32 $2.550000000e+02, v16;
	v17 =	vmul.f32 $2.550000000e+02, v17  }
0x168: {  	v29 =	vld [tilespmem:s19+$0x40];
	v18 =	vmul.f32 $2.550000000e+02, v18;
	v19 =	vmul.f32 $2.550000000e+02, v19  }
0x169: {  	v32 =	vld [tilespmem:s19+$0xFFFFFF80];
	v20 =	vmul.f32 $2.550000000e+02, v20;
	v21 =	vmul.f32 $2.550000000e+02, v21  }
0x16a: {  	v22 =	vmul.f32 $2.550000000e+02, v22;
	v23 =	vmul.f32 $2.550000000e+02, v23  }
0x16b: {  	v24 =	vmul.f32 $2.550000000e+02, v24;
	v25 =	vmul.f32 $2.550000000e+02, v25  }
0x16c: {  	v26 =	vmul.f32 $2.550000000e+02, v26;
	v27 =	vmul.f32 $2.550000000e+02, v27  }
0x16d: {  	v28 =	vmul.f32 $2.550000000e+02, v28;
	v29 =	vmul.f32 $2.550000000e+02, v29  }
0x16e: {  	v53 =	vmul.f32 $2.550000000e+02, v32;
	v1 =	vmax.f32 v1, $0.0e+00;
	v2 =	vmax.f32 v2, $0.0e+00  }
0x16f: {  	v3 =	vmax.f32 v3, $0.0e+00;
	v4 =	vmax.f32 v4, $0.0e+00;
	v5 =	vmax.f32 v5, $0.0e+00  }
0x170: {  	v6 =	vmax.f32 v6, $0.0e+00;
	v7 =	vmax.f32 v7, $0.0e+00;
	v8 =	vmax.f32 v8, $0.0e+00  }
0x171: {  	v9 =	vmax.f32 v9, $0.0e+00;
	v10 =	vmax.f32 v10, $0.0e+00;
	v11 =	vmax.f32 v11, $0.0e+00  }
0x172: {  	v12 =	vmax.f32 v12, $0.0e+00;
	v13 =	vmax.f32 v13, $0.0e+00;
	v14 =	vmax.f32 v14, $0.0e+00  }
0x173: {  	v15 =	vmax.f32 v15, $0.0e+00;
	v16 =	vmax.f32 v16, $0.0e+00;
	v17 =	vmax.f32 v17, $0.0e+00  }
0x174: {  	v18 =	vmax.f32 v18, $0.0e+00;
	v19 =	vmax.f32 v19, $0.0e+00;
	v20 =	vmax.f32 v20, $0.0e+00  }
0x175: {  	v21 =	vmax.f32 v21, $0.0e+00;
	v22 =	vmax.f32 v22, $0.0e+00;
	v23 =	vmax.f32 v23, $0.0e+00  }
0x176: {  	v24 =	vmax.f32 v24, $0.0e+00;
	v25 =	vmax.f32 v25, $0.0e+00;
	v26 =	vmax.f32 v26, $0.0e+00  }
0x177: {  	v27 =	vmax.f32 v27, $0.0e+00;
	v28 =	vmax.f32 v28, $0.0e+00;
	v29 =	vmax.f32 v29, $0.0e+00  }
0x178: {  	v55 =	vmax.f32 v53, $0.0e+00;
	v1 =	vmin.f32 v1, $2.550000000e+02;
	v2 =	vmin.f32 v2, $2.550000000e+02  }
0x179: {  	v3 =	vmin.f32 v3, $2.550000000e+02;
	v4 =	vmin.f32 v4, $2.550000000e+02;
	v5 =	vmin.f32 v5, $2.550000000e+02  }
0x17a: {  	v6 =	vmin.f32 v6, $2.550000000e+02;
	v7 =	vmin.f32 v7, $2.550000000e+02;
	v11 =	vmin.f32 v11, $2.550000000e+02  }
0x17b: {  	v8 =	vmin.f32 v8, $2.550000000e+02;
	v9 =	vmin.f32 v9, $2.550000000e+02;
	v10 =	vmin.f32 v10, $2.550000000e+02  }
0x17c: {  	v12 =	vmin.f32 v12, $2.550000000e+02;
	v13 =	vmin.f32 v13, $2.550000000e+02;
	v14 =	vmin.f32 v14, $2.550000000e+02  }
0x17d: {  	v15 =	vmin.f32 v15, $2.550000000e+02;
	v16 =	vmin.f32 v16, $2.550000000e+02;
	v17 =	vmin.f32 v17, $2.550000000e+02  }
0x17e: {  	v18 =	vmin.f32 v18, $2.550000000e+02;
	v19 =	vmin.f32 v19, $2.550000000e+02;
	v1 =	vadd.f32 v1, v0  }
0x17f: {  	v20 =	vmin.f32 v20, $2.550000000e+02;
	v21 =	vmin.f32 v21, $2.550000000e+02;
	v2 =	vadd.f32 v2, v0  }
0x180: {  	v22 =	vmin.f32 v22, $2.550000000e+02;
	v11 =	vadd.f32 v11, v0;
	v1 =	vadd.s32 $0xB4C00000, v1  }
0x181: {  	v23 =	vmin.f32 v23, $2.550000000e+02;
	v17 =	vadd.f32 v17, v0;
	v2 =	vadd.s32 $0xB4C00000, v2  }
0x182: {  	v24 =	vmin.f32 v24, $2.550000000e+02;
	v3 =	vadd.f32 v3, v0;
	v11 =	vadd.s32 $0xB4C00000, v11  }
0x183: {  	v30 =	vld [tilespmem:s19+$0x50];
	v25 =	vmin.f32 v25, $2.550000000e+02;
	v4 =	vadd.f32 v4, v0;
	v17 =	vadd.s32 $0xB4C00000, v17  }
0x184: {  	v31 =	vld [tilespmem:s19+$0x60];
	v26 =	vmin.f32 v26, $2.550000000e+02;
	v5 =	vadd.f32 v5, v0;
	v3 =	vadd.s32 $0xB4C00000, v3  }
0x185: {  	v27 =	vmin.f32 v27, $2.550000000e+02;
	v6 =	vadd.f32 v6, v0;
	v4 =	vadd.s32 $0xB4C00000, v4;
	v1 =	vld.idx.msk [tilespmem:v1+s3+$0x0], $0xffff  }
0x186: {  	v54 =	vmin.f32 v29, $2.550000000e+02;
	v7 =	vadd.f32 v7, v0;
	v5 =	vadd.s32 $0xB4C00000, v5;
	v2 =	vld.idx.msk [tilespmem:v2+s3+$0x0], $0xffff  }
0x187: {  	v8 =	vadd.f32 v8, v0;
	v9 =	vadd.f32 v9, v0;
	v6 =	vadd.s32 $0xB4C00000, v6;
	v11 =	vld.idx.msk [tilespmem:v11+s3+$0x0], $0xffff  }
0x188: {  	v10 =	vadd.f32 v10, v0;
	v12 =	vadd.f32 v12, v0;
	v7 =	vadd.s32 $0xB4C00000, v7;
	v17 =	vld.idx.msk [tilespmem:v17+s3+$0x0], $0xffff  }
0x189: {  	v13 =	vadd.f32 v13, v0;
	v14 =	vadd.f32 v14, v0;
	v8 =	vadd.s32 $0xB4C00000, v8;
	v3 =	vld.idx.msk [tilespmem:v3+s3+$0x0], $0xffff  }
0x18a: {  	s18 =	simm.s32 $0xC380;
	v15 =	vadd.f32 v15, v0;
	v16 =	vadd.f32 v16, v0;
	v12 =	vadd.s32 $0xB4C00000, v12;
	v4 =	vld.idx.msk [tilespmem:v4+s3+$0x0], $0xffff  }
0x18b: {  	v18 =	vadd.f32 v18, v0;
	v19 =	vadd.f32 v19, v0;
	v13 =	vadd.s32 $0xB4C00000, v13;
	v5 =	vld.idx.msk [tilespmem:v5+s3+$0x0], $0xffff;
	[tilespmem:s18+$0x70] =	vst v1  }
0x18c: {  	v58 =	vadd.f32 v22, v0;
	v61 =	vadd.f32 v24, v0;
	v9 =	vadd.s32 $0xB4C00000, v9;
	v6 =	vld.idx.msk [tilespmem:v6+s3+$0x0], $0xffff;
	[tilespmem:s18+$0xFFFFFF90] =	vst v2  }
0x18d: {  	s10 =	simm.s32 $0xC480;
	v62 =	vadd.f32 v25, v0;
	v10 =	vadd.s32 $0xB4C00000, v10;
	v7 =	vld.idx.msk [tilespmem:v7+s3+$0x0], $0xffff;
	v2 =	vmul.f32 $2.550000000e+02, v31;
	[tilespmem:s18+$0xFFFFFF80] =	vst v11  }
0x18e: {  	v63 =	vadd.f32 v26, v0;
	v14 =	vadd.s32 $0xB4C00000, v14;
	v15 =	vadd.s32 $0xB4C00000, v15;
	v8 =	vld.idx.msk [tilespmem:v8+s3+$0x0], $0xffff;
	[tilespmem:s10+$0x70] =	vst v17  }
0x18f: {  	v16 =	vadd.s32 $0xB4C00000, v16;
	v59 =	vld.idx.msk [tilespmem:v12+s3+$0x0], $0xffff;
	v17 =	vmin.f32 v55, $2.550000000e+02;
	[tilespmem:s18+$0xFFFFFFA0] =	vst v3;
	v2 =	vmax.f32 v2, $0.0e+00  }
0x190: {  	v57 =	vadd.s32 $0xB4C00000, v18;
	v13 =	vld.idx.msk [tilespmem:v13+s3+$0x0], $0xffff;
	[tilespmem:s18+$0xFFFFFFB0] =	vst v4;
	v56 =	vmin.f32 v2, $2.550000000e+02;
	v2 =	vadd.f32 v17, v0  }
0x191: {  	v12 =	vadd.f32 v27, v0;
	v1 =	vmul.f32 $2.550000000e+02, v30;
	v11 =	vmin.f32 v28, $2.550000000e+02;
	v3 =	vld.idx.msk [tilespmem:v9+s3+$0x0], $0xffff;
	[tilespmem:s18+$0xFFFFFFC0] =	vst v5  }
0x192: {  	v9 =	vadd.f32 v20, v0;
	v20 =	vld.idx.msk [tilespmem:v10+s3+$0x0], $0xffff;
	v5 =	vadd.f32 v23, v0;
	[tilespmem:s18+$0xFFFFFFD0] =	vst v6;
	v60 =	vadd.s32 $0xB4C00000, v2  }
0x193: {  	v14 =	vld.idx.msk [tilespmem:v14+s3+$0x0], $0xffff;
	[tilespmem:s18+$0xFFFFFFF0] =	vst v8;
	v8 =	vadd.s32 $0xB4C00000, v61;
	v10 =	vadd.f32 v11, v0;
	v1 =	vmax.f32 v1, $0.0e+00  }
0x194: {  	v15 =	vld.idx.msk [tilespmem:v15+s3+$0x0], $0xffff;
	[tilespmem:s18+$0xFFFFFFE0] =	vst v7;
	v11 =	vadd.s32 $0xB4C00000, v58;
	v1 =	vmin.f32 v1, $2.550000000e+02;
	v17 =	vadd.f32 v21, v0  }
0x195: {  	v18 =	vld.idx.msk [tilespmem:v16+s3+$0x0], $0xffff;
	[tilespmem:s18+$0x20] =	vst v59;
	v4 =	vadd.s32 $0xB4C00000, v9;
	v6 =	vadd.s32 $0xB4C00000, v5;
	v9 =	vadd.f32 v1, v0  }
0x196: {  	v16 =	vld.idx.msk [tilespmem:v57+s3+$0x0], $0xffff;
	v5 =	vadd.f32 v56, v0;
	v7 =	vadd.s32 $0xB4C00000, v17;
	v17 =	vadd.f32 v54, v0;
	[tilespmem:s18+$0x0] =	vst v3  }
0x197: {  	s6 =	sadd.s32 s9, s14;
	s0 =	simm.s32 $0x4580;
	s19 =	simm.s32 $0x10;
	v1 =	vadd.s32 $0xB4C00000, v63;
	v2 =	vadd.s32 $0xB4C00000, v19;
	[tilespmem:s18+$0x10] =	vst v20;
	v3 =	vadd.s32 $0xB4C00000, v62;
	v19 =	vld.idx.msk [tilespmem:v60+s3+$0x0], $0xffff  }
.LBB2_7:
0x198: {  	v20 =	vld [tilespmem:s0+$0x70];
	s19 =	sadd.s32 $0x10, s19;
	v21 =	vadd.s32 $0xB4C00000, v12;
	v12 =	vadd.s32 $0xB4C00000, v10;
	v10 =	vadd.s32 $0xB4C00000, v17;
	[tilespmem:s18+$0x30] =	vst v13  }
0x199: {  	v9 =	vadd.s32 $0xB4C00000, v9;
	v5 =	vadd.s32 $0xB4C00000, v5;
	v13 =	vld [tilespmem:s0+$0xFFFFFF90];
	p2 =	slt.u32 s19, $0x1F0;
	[tilespmem:s18+$0x40] =	vst v14  }
0x19a: {  	v14 =	vld [tilespmem:s0+$0xFFFFFFA0];
	[tilespmem:s18+$0x50] =	vst v15  }
0x19b: {  	v15 =	vld [tilespmem:s0+$0xFFFFFFB0];
	[tilespmem:s18+$0x60] =	vst v18;
	s18 =	smov.u32 s10  }
0x19c: {  	v17 =	vld [tilespmem:s0+$0xFFFFFFC0];
	[tilespmem:s10+$0xFFFFFF90] =	vst v16  }
0x19d: {  	v16 =	vld [tilespmem:s0+$0xFFFFFFD0];
	v18 =	vmul.f32 $2.550000000e+02, v20;
	[tilespmem:s10+$0xFFFFFF80] =	vst v19  }
0x19e: {  	v13 =	vmul.f32 $2.550000000e+02, v13;
	v19 =	vld [tilespmem:s0+$0xFFFFFFE0]  }
0x19f: {  	v14 =	vmul.f32 $2.550000000e+02, v14;
	v20 =	vld [tilespmem:s0+$0xFFFFFFF0];
	v18 =	vmax.f32 v18, $0.0e+00  }
0x1a0: {  	v13 =	vmax.f32 v13, $0.0e+00;
	v15 =	vmul.f32 $2.550000000e+02, v15;
	v22 =	vld [tilespmem:s0+$0x0];
	v18 =	vmin.f32 v18, $2.550000000e+02  }
0x1a1: {  	v14 =	vmax.f32 v14, $0.0e+00;
	v17 =	vmul.f32 $2.550000000e+02, v17;
	v23 =	vld [tilespmem:s0+$0x10];
	v18 =	vadd.f32 v18, v0  }
0x1a2: {  	v13 =	vmin.f32 v13, $2.550000000e+02;
	v15 =	vmax.f32 v15, $0.0e+00;
	v16 =	vmul.f32 $2.550000000e+02, v16;
	v24 =	vld [tilespmem:s0+$0x20]  }
0x1a3: {  	v17 =	vmax.f32 v17, $0.0e+00;
	v19 =	vmul.f32 $2.550000000e+02, v19;
	v25 =	vld [tilespmem:s0+$0x30];
	v18 =	vadd.s32 $0xB4C00000, v18  }
0x1a4: {  	v14 =	vmin.f32 v14, $2.550000000e+02;
	v16 =	vmax.f32 v16, $0.0e+00;
	v20 =	vmul.f32 $2.550000000e+02, v20;
	v26 =	vld [tilespmem:s0+$0x40]  }
0x1a5: {  	v15 =	vmin.f32 v15, $2.550000000e+02;
	v19 =	vmax.f32 v19, $0.0e+00;
	v22 =	vmul.f32 $2.550000000e+02, v22;
	v27 =	vld [tilespmem:s0+$0x50]  }
0x1a6: {  	v17 =	vmin.f32 v17, $2.550000000e+02;
	v20 =	vmax.f32 v20, $0.0e+00;
	v23 =	vmul.f32 $2.550000000e+02, v23;
	v28 =	vld [tilespmem:s0+$0x60]  }
0x1a7: {  	v16 =	vmin.f32 v16, $2.550000000e+02;
	v29 =	vld [tilespmem:s0+$0xFFFFFF80];
	v22 =	vmax.f32 v22, $0.0e+00;
	v24 =	vmul.f32 $2.550000000e+02, v24  }
0x1a8: {  	v19 =	vmin.f32 v19, $2.550000000e+02;
	v23 =	vmax.f32 v23, $0.0e+00;
	v25 =	vmul.f32 $2.550000000e+02, v25;
	v18 =	vld.idx.msk [tilespmem:v18+s3+$0x0], $0xffff  }
0x1a9: {  	v20 =	vmin.f32 v20, $2.550000000e+02;
	v24 =	vmax.f32 v24, $0.0e+00;
	v26 =	vmul.f32 $2.550000000e+02, v26;
	v2 =	vld.idx.msk [tilespmem:v2+s3+$0x0], $0xffff  }
0x1aa: {  	v22 =	vmin.f32 v22, $2.550000000e+02;
	v25 =	vmax.f32 v25, $0.0e+00;
	v27 =	vmul.f32 $2.550000000e+02, v27;
	v4 =	vld.idx.msk [tilespmem:v4+s3+$0x0], $0xffff  }
0x1ab: {  	v23 =	vmin.f32 v23, $2.550000000e+02;
	v26 =	vmax.f32 v26, $0.0e+00;
	v28 =	vmul.f32 $2.550000000e+02, v28;
	v7 =	vld.idx.msk [tilespmem:v7+s3+$0x0], $0xffff  }
0x1ac: {  	v24 =	vmin.f32 v24, $2.550000000e+02;
	v29 =	vmul.f32 $2.550000000e+02, v29;
	v27 =	vmax.f32 v27, $0.0e+00;
	v11 =	vld.idx.msk [tilespmem:v11+s3+$0x0], $0xffff  }
0x1ad: {  	s10 =	sadd.s32 $0x100, s10;
	v25 =	vmin.f32 v25, $2.550000000e+02;
	v26 =	vmin.f32 v26, $2.550000000e+02;
	v28 =	vmax.f32 v28, $0.0e+00;
	v6 =	vld.idx.msk [tilespmem:v6+s3+$0x0], $0xffff  }
0x1ae: {  	v27 =	vmin.f32 v27, $2.550000000e+02;
	v29 =	vmax.f32 v29, $0.0e+00;
	v28 =	vmin.f32 v28, $2.550000000e+02;
	[tilespmem:s10+$0x70] =	vst v18;
	v8 =	vld.idx.msk [tilespmem:v8+s3+$0x0], $0xffff  }
0x1af: {  	v13 =	vadd.f32 v13, v0;
	v14 =	vadd.f32 v14, v0;
	v18 =	vmin.f32 v29, $2.550000000e+02;
	[tilespmem:s18+$0xFFFFFFA0] =	vst v2;
	v3 =	vld.idx.msk [tilespmem:v3+s3+$0x0], $0xffff  }
0x1b0: {  	v15 =	vadd.f32 v15, v0;
	v2 =	vadd.f32 v18, v0;
	[tilespmem:s18+$0xFFFFFFB0] =	vst v4;
	v1 =	vld.idx.msk [tilespmem:v1+s3+$0x0], $0xffff  }
0x1b1: {  	v17 =	vadd.f32 v17, v0;
	v30 =	vadd.f32 v16, v0;
	v29 =	vadd.s32 $0xB4C00000, v13;
	[tilespmem:s18+$0xFFFFFFC0] =	vst v7;
	v21 =	vld.idx.msk [tilespmem:v21+s3+$0x0], $0xffff  }
0x1b2: {  	v19 =	vadd.f32 v19, v0;
	v20 =	vadd.f32 v20, v0;
	v31 =	vadd.s32 $0xB4C00000, v2;
	[tilespmem:s18+$0xFFFFFFD0] =	vst v11;
	v13 =	vld.idx.msk [tilespmem:v12+s3+$0x0], $0xffff  }
.Ltmp4:
0x1b3: {  	v22 =	vadd.f32 v22, v0;
	v23 =	vadd.f32 v23, v0;
	v2 =	vadd.s32 $0xB4C00000, v14;
	[tilespmem:s18+$0xFFFFFFE0] =	vst v6;
	v14 =	vld.idx.msk [tilespmem:v10+s3+$0x0], $0xffff;
	(pc) =	sbr.rel @p2 .LBB2_7-.Ltmp4, $4  }
0x1b4: {  	v4 =	vadd.s32 $0xB4C00000, v15;
	v12 =	vadd.f32 v24, v0;
	v10 =	vadd.f32 v25, v0;
	[tilespmem:s18+$0xFFFFFFF0] =	vst v8;
	v15 =	vld.idx.msk [tilespmem:v9+s3+$0x0], $0xffff  }
0x1b5: {  	v7 =	vadd.s32 $0xB4C00000, v17;
	v17 =	vadd.f32 v26, v0;
	v9 =	vadd.f32 v27, v0;
	[tilespmem:s18+$0x0] =	vst v3;
	v18 =	vld.idx.msk [tilespmem:v5+s3+$0x0], $0xffff  }
0x1b6: {  	v11 =	vadd.s32 $0xB4C00000, v30;
	v6 =	vadd.s32 $0xB4C00000, v19;
	v5 =	vadd.f32 v28, v0;
	v16 =	vld.idx.msk [tilespmem:v29+s3+$0x0], $0xffff;
	[tilespmem:s18+$0x10] =	vst v1  }
0x1b7: {  	s0 =	sadd.s32 $0x100, s0;
	v8 =	vadd.s32 $0xB4C00000, v20;
	v3 =	vadd.s32 $0xB4C00000, v22;
	v1 =	vadd.s32 $0xB4C00000, v23;
	v19 =	vld.idx.msk [tilespmem:v31+s3+$0x0], $0xffff;
	[tilespmem:s18+$0x20] =	vst v21  }
0x1b8: {  	_ =	sdelay $0x2  }
0x1b9: {  	[tilespmem:s18+$0x30] =	vst v13  }
0x1ba: {  	[tilespmem:s18+$0x40] =	vst v14;
	v2 =	vld.idx.msk [tilespmem:v2+s3+$0x0], $0xffff  }
0x1bb: {  	v4 =	vld.idx.msk [tilespmem:v4+s3+$0x0], $0xffff;
	[tilespmem:s18+$0x50] =	vst v15  }
0x1bc: {  	v7 =	vld.idx.msk [tilespmem:v7+s3+$0x0], $0xffff;
	[tilespmem:s18+$0x60] =	vst v18  }
0x1bd: {  	v12 =	vadd.s32 $0xB4C00000, v12;
	v11 =	vld.idx.msk [tilespmem:v11+s3+$0x0], $0xffff;
	[tilespmem:s10+$0xFFFFFF90] =	vst v16  }
0x1be: {  	v10 =	vadd.s32 $0xB4C00000, v10;
	v6 =	vld.idx.msk [tilespmem:v6+s3+$0x0], $0xffff;
	[tilespmem:s10+$0xFFFFFF80] =	vst v19  }
0x1bf: {  	v13 =	vadd.s32 $0xB4C00000, v17;
	v8 =	vld.idx.msk [tilespmem:v8+s3+$0x0], $0xffff;
	[tilespmem:s10+$0xFFFFFFA0] =	vst v2  }
0x1c0: {  	v3 =	vld.idx.msk [tilespmem:v3+s3+$0x0], $0xffff;
	v2 =	vadd.s32 $0xB4C00000, v9;
	[tilespmem:s10+$0xFFFFFFB0] =	vst v4  }
0x1c1: {  	v1 =	vld.idx.msk [tilespmem:v1+s3+$0x0], $0xffff;
	v4 =	vadd.s32 $0xB4C00000, v5;
	[tilespmem:s10+$0xFFFFFFC0] =	vst v7  }
0x1c2: {  	v5 =	vld.idx.msk [tilespmem:v12+s3+$0x0], $0xffff;
	[tilespmem:s10+$0xFFFFFFD0] =	vst v11  }
0x1c3: {  	v7 =	vld.idx.msk [tilespmem:v10+s3+$0x0], $0xffff;
	[tilespmem:s10+$0xFFFFFFE0] =	vst v6  }
0x1c4: {  	v6 =	vld.idx.msk [tilespmem:v13+s3+$0x0], $0xffff;
	[tilespmem:s10+$0xFFFFFFF0] =	vst v8  }
0x1c5: {  	[tilespmem:s10+$0x0] =	vst v3;
	v2 =	vld.idx.msk [tilespmem:v2+s3+$0x0], $0xffff  }
0x1c6: {  	[tilespmem:s10+$0x10] =	vst v1;
	v3 =	vld.idx.msk [tilespmem:v4+s3+$0x0], $0xffff  }
0x1c7: {  	[tilespmem:s10+$0x20] =	vst v5  }
0x1c8: {  	[tilespmem:s10+$0x30] =	vst v7  }
0x1c9: {  	[tilespmem:s10+$0x40] =	vst v6  }
0x1ca: {  	s0 =	sshrl.u32 s6, $0x3;
	[tilespmem:s10+$0x50] =	vst v2  }
0x1cb: {  	s0 =	sadd.s32 s5, s0;
	[tilespmem:s10+$0x60] =	vst v3  }
0x1cc: {  	[hbm4b:s0+s3] =	stream.linear.scatter [tilespmem:s30], [sflag:$0x7], $0x2000, $0x38;
	[tilespmem:$0x10300] =	vst v63  }
0x1cd: {  	s0 =	sadd.s32 @!p1 s9, s15  }
0x1ce: {  	s0 =	sshrl.u32 @!p1 s0, $0x3  }
0x1cf: {  	s6 =	simm.s32 @!p1 $0x0;
	s10 =	simm.s32 @!p1 $0x4300;
	s0 =	sadd.s32 @!p1 s2, s0  }
0x1d0: {  	[tilespmem:s10], [sflag:$0x3] =	stream.linear.gather @!p1 [hbm4b:s0+s6], $0x2000, $0x38;
	[tilespmem:$0x10300] =	vst v63  }
0x1d1: {  	_ =	swait.ge [sflag:s31], $0x2000  }
0x1d2: {  	[sflag:s31] =	ssyncset.done $0x0  }
0x1d3: {  	s0 =	simm.s32 @!p0 $0x8;
	[sflag:s31] =	ssyncadd.s32 $0xFFFFE000  }
0x1d4: {  	_ =	swait.ge @!p0 [sflag:s0], $0x2000  }
0x1d5: {  	[sflag:s0] =	ssyncset.done @!p0 $0x0  }
0x1d6: {  	s18 =	simm.s32 $0x6380;
	[sflag:s0] =	ssyncadd.s32 @!p0 $0xFFFFE000  }
0x1d7: {  	v1 =	vld [tilespmem:s18+$0x70]  }
0x1d8: {  	v2 =	vld [tilespmem:s18+$0xFFFFFF90]  }
0x1d9: {  	v3 =	vld [tilespmem:s18+$0xFFFFFFA0]  }
0x1da: {  	v4 =	vld [tilespmem:s18+$0xFFFFFFB0]  }
0x1db: {  	v5 =	vld [tilespmem:s18+$0xFFFFFFC0]  }
0x1dc: {  	v6 =	vld [tilespmem:s18+$0xFFFFFFD0]  }
0x1dd: {  	v7 =	vld [tilespmem:s18+$0xFFFFFFE0]  }
0x1de: {  	v8 =	vld [tilespmem:s18+$0xFFFFFFF0]  }
0x1df: {  	v9 =	vld [tilespmem:s18+$0x0]  }
0x1e0: {  	v10 =	vld [tilespmem:s18+$0x10]  }
0x1e1: {  	v11 =	vld [tilespmem:s18+$0xFFFFFF80]  }
0x1e2: {  	v12 =	vld [tilespmem:s18+$0x20]  }
0x1e3: {  	v13 =	vld [tilespmem:s18+$0x30]  }
0x1e4: {  	v14 =	vld [tilespmem:s18+$0x40]  }
0x1e5: {  	v15 =	vld [tilespmem:s18+$0x50]  }
0x1e6: {  	s19 =	simm.s32 $0x6480;
	v16 =	vld [tilespmem:s18+$0x60]  }
0x1e7: {  	v17 =	vld [tilespmem:s19+$0x70]  }
0x1e8: {  	v18 =	vld [tilespmem:s19+$0xFFFFFF90]  }
0x1e9: {  	v19 =	vld [tilespmem:s19+$0xFFFFFFA0]  }
0x1ea: {  	v20 =	vld [tilespmem:s19+$0xFFFFFFB0];
	v1 =	vmul.f32 $2.550000000e+02, v1  }
0x1eb: {  	v21 =	vld [tilespmem:s19+$0xFFFFFFC0];
	v2 =	vmul.f32 $2.550000000e+02, v2;
	v3 =	vmul.f32 $2.550000000e+02, v3  }
0x1ec: {  	v22 =	vld [tilespmem:s19+$0xFFFFFFD0];
	v4 =	vmul.f32 $2.550000000e+02, v4;
	v5 =	vmul.f32 $2.550000000e+02, v5  }
0x1ed: {  	v23 =	vld [tilespmem:s19+$0xFFFFFFE0];
	v6 =	vmul.f32 $2.550000000e+02, v6;
	v7 =	vmul.f32 $2.550000000e+02, v7  }
0x1ee: {  	v24 =	vld [tilespmem:s19+$0xFFFFFFF0];
	v8 =	vmul.f32 $2.550000000e+02, v8;
	v9 =	vmul.f32 $2.550000000e+02, v9  }
0x1ef: {  	v25 =	vld [tilespmem:s19+$0x0];
	v10 =	vmul.f32 $2.550000000e+02, v10;
	v11 =	vmul.f32 $2.550000000e+02, v11  }
0x1f0: {  	v26 =	vld [tilespmem:s19+$0x10];
	v12 =	vmul.f32 $2.550000000e+02, v12;
	v13 =	vmul.f32 $2.550000000e+02, v13  }
0x1f1: {  	v27 =	vld [tilespmem:s19+$0x20];
	v14 =	vmul.f32 $2.550000000e+02, v14;
	v15 =	vmul.f32 $2.550000000e+02, v15  }
0x1f2: {  	v28 =	vld [tilespmem:s19+$0x30];
	v16 =	vmul.f32 $2.550000000e+02, v16;
	v17 =	vmul.f32 $2.550000000e+02, v17  }
0x1f3: {  	v29 =	vld [tilespmem:s19+$0x40];
	v18 =	vmul.f32 $2.550000000e+02, v18;
	v19 =	vmul.f32 $2.550000000e+02, v19  }
0x1f4: {  	v32 =	vld [tilespmem:s19+$0xFFFFFF80];
	v20 =	vmul.f32 $2.550000000e+02, v20;
	v21 =	vmul.f32 $2.550000000e+02, v21  }
0x1f5: {  	v22 =	vmul.f32 $2.550000000e+02, v22;
	v23 =	vmul.f32 $2.550000000e+02, v23  }
0x1f6: {  	v24 =	vmul.f32 $2.550000000e+02, v24;
	v25 =	vmul.f32 $2.550000000e+02, v25  }
0x1f7: {  	v26 =	vmul.f32 $2.550000000e+02, v26;
	v27 =	vmul.f32 $2.550000000e+02, v27  }
0x1f8: {  	v28 =	vmul.f32 $2.550000000e+02, v28;
	v29 =	vmul.f32 $2.550000000e+02, v29  }
0x1f9: {  	v53 =	vmul.f32 $2.550000000e+02, v32;
	v1 =	vmax.f32 v1, $0.0e+00;
	v2 =	vmax.f32 v2, $0.0e+00  }
0x1fa: {  	v3 =	vmax.f32 v3, $0.0e+00;
	v4 =	vmax.f32 v4, $0.0e+00;
	v5 =	vmax.f32 v5, $0.0e+00  }
0x1fb: {  	v6 =	vmax.f32 v6, $0.0e+00;
	v7 =	vmax.f32 v7, $0.0e+00;
	v8 =	vmax.f32 v8, $0.0e+00  }
0x1fc: {  	v9 =	vmax.f32 v9, $0.0e+00;
	v10 =	vmax.f32 v10, $0.0e+00;
	v11 =	vmax.f32 v11, $0.0e+00  }
0x1fd: {  	v12 =	vmax.f32 v12, $0.0e+00;
	v13 =	vmax.f32 v13, $0.0e+00;
	v14 =	vmax.f32 v14, $0.0e+00  }
0x1fe: {  	v15 =	vmax.f32 v15, $0.0e+00;
	v16 =	vmax.f32 v16, $0.0e+00;
	v17 =	vmax.f32 v17, $0.0e+00  }
0x1ff: {  	v18 =	vmax.f32 v18, $0.0e+00;
	v19 =	vmax.f32 v19, $0.0e+00;
	v20 =	vmax.f32 v20, $0.0e+00  }
0x200: {  	v21 =	vmax.f32 v21, $0.0e+00;
	v22 =	vmax.f32 v22, $0.0e+00;
	v23 =	vmax.f32 v23, $0.0e+00  }
0x201: {  	v24 =	vmax.f32 v24, $0.0e+00;
	v25 =	vmax.f32 v25, $0.0e+00;
	v26 =	vmax.f32 v26, $0.0e+00  }
0x202: {  	v27 =	vmax.f32 v27, $0.0e+00;
	v28 =	vmax.f32 v28, $0.0e+00;
	v29 =	vmax.f32 v29, $0.0e+00  }
0x203: {  	v55 =	vmax.f32 v53, $0.0e+00;
	v1 =	vmin.f32 v1, $2.550000000e+02;
	v2 =	vmin.f32 v2, $2.550000000e+02  }
0x204: {  	v3 =	vmin.f32 v3, $2.550000000e+02;
	v4 =	vmin.f32 v4, $2.550000000e+02;
	v5 =	vmin.f32 v5, $2.550000000e+02  }
0x205: {  	v6 =	vmin.f32 v6, $2.550000000e+02;
	v7 =	vmin.f32 v7, $2.550000000e+02;
	v11 =	vmin.f32 v11, $2.550000000e+02  }
0x206: {  	v8 =	vmin.f32 v8, $2.550000000e+02;
	v9 =	vmin.f32 v9, $2.550000000e+02;
	v10 =	vmin.f32 v10, $2.550000000e+02  }
0x207: {  	v12 =	vmin.f32 v12, $2.550000000e+02;
	v13 =	vmin.f32 v13, $2.550000000e+02;
	v14 =	vmin.f32 v14, $2.550000000e+02  }
0x208: {  	v15 =	vmin.f32 v15, $2.550000000e+02;
	v16 =	vmin.f32 v16, $2.550000000e+02;
	v17 =	vmin.f32 v17, $2.550000000e+02  }
0x209: {  	v18 =	vmin.f32 v18, $2.550000000e+02;
	v19 =	vmin.f32 v19, $2.550000000e+02;
	v1 =	vadd.f32 v1, v0  }
0x20a: {  	v20 =	vmin.f32 v20, $2.550000000e+02;
	v21 =	vmin.f32 v21, $2.550000000e+02;
	v2 =	vadd.f32 v2, v0  }
0x20b: {  	v22 =	vmin.f32 v22, $2.550000000e+02;
	v11 =	vadd.f32 v11, v0;
	v1 =	vadd.s32 $0xB4C00000, v1  }
0x20c: {  	v23 =	vmin.f32 v23, $2.550000000e+02;
	v17 =	vadd.f32 v17, v0;
	v2 =	vadd.s32 $0xB4C00000, v2  }
0x20d: {  	v24 =	vmin.f32 v24, $2.550000000e+02;
	v3 =	vadd.f32 v3, v0;
	v11 =	vadd.s32 $0xB4C00000, v11  }
0x20e: {  	v30 =	vld [tilespmem:s19+$0x50];
	v25 =	vmin.f32 v25, $2.550000000e+02;
	v4 =	vadd.f32 v4, v0;
	v17 =	vadd.s32 $0xB4C00000, v17  }
0x20f: {  	v31 =	vld [tilespmem:s19+$0x60];
	v26 =	vmin.f32 v26, $2.550000000e+02;
	v5 =	vadd.f32 v5, v0;
	v3 =	vadd.s32 $0xB4C00000, v3  }
0x210: {  	v27 =	vmin.f32 v27, $2.550000000e+02;
	v6 =	vadd.f32 v6, v0;
	v4 =	vadd.s32 $0xB4C00000, v4;
	v1 =	vld.idx.msk [tilespmem:v1+s3+$0x0], $0xffff  }
0x211: {  	v54 =	vmin.f32 v29, $2.550000000e+02;
	v7 =	vadd.f32 v7, v0;
	v5 =	vadd.s32 $0xB4C00000, v5;
	v2 =	vld.idx.msk [tilespmem:v2+s3+$0x0], $0xffff  }
0x212: {  	v8 =	vadd.f32 v8, v0;
	v9 =	vadd.f32 v9, v0;
	v6 =	vadd.s32 $0xB4C00000, v6;
	v11 =	vld.idx.msk [tilespmem:v11+s3+$0x0], $0xffff  }
0x213: {  	v10 =	vadd.f32 v10, v0;
	v12 =	vadd.f32 v12, v0;
	v7 =	vadd.s32 $0xB4C00000, v7;
	v17 =	vld.idx.msk [tilespmem:v17+s3+$0x0], $0xffff  }
0x214: {  	v13 =	vadd.f32 v13, v0;
	v14 =	vadd.f32 v14, v0;
	v8 =	vadd.s32 $0xB4C00000, v8;
	v3 =	vld.idx.msk [tilespmem:v3+s3+$0x0], $0xffff  }
0x215: {  	s18 =	simm.s32 $0xE380;
	v15 =	vadd.f32 v15, v0;
	v16 =	vadd.f32 v16, v0;
	v12 =	vadd.s32 $0xB4C00000, v12;
	v4 =	vld.idx.msk [tilespmem:v4+s3+$0x0], $0xffff  }
0x216: {  	v18 =	vadd.f32 v18, v0;
	v19 =	vadd.f32 v19, v0;
	v13 =	vadd.s32 $0xB4C00000, v13;
	v5 =	vld.idx.msk [tilespmem:v5+s3+$0x0], $0xffff;
	[tilespmem:s18+$0x70] =	vst v1  }
0x217: {  	v58 =	vadd.f32 v22, v0;
	v61 =	vadd.f32 v24, v0;
	v9 =	vadd.s32 $0xB4C00000, v9;
	v6 =	vld.idx.msk [tilespmem:v6+s3+$0x0], $0xffff;
	[tilespmem:s18+$0xFFFFFF90] =	vst v2  }
0x218: {  	s10 =	simm.s32 $0xE480;
	v62 =	vadd.f32 v25, v0;
	v10 =	vadd.s32 $0xB4C00000, v10;
	v7 =	vld.idx.msk [tilespmem:v7+s3+$0x0], $0xffff;
	v2 =	vmul.f32 $2.550000000e+02, v31;
	[tilespmem:s18+$0xFFFFFF80] =	vst v11  }
0x219: {  	v63 =	vadd.f32 v26, v0;
	v14 =	vadd.s32 $0xB4C00000, v14;
	v15 =	vadd.s32 $0xB4C00000, v15;
	v8 =	vld.idx.msk [tilespmem:v8+s3+$0x0], $0xffff;
	[tilespmem:s10+$0x70] =	vst v17  }
0x21a: {  	v16 =	vadd.s32 $0xB4C00000, v16;
	v59 =	vld.idx.msk [tilespmem:v12+s3+$0x0], $0xffff;
	v17 =	vmin.f32 v55, $2.550000000e+02;
	[tilespmem:s18+$0xFFFFFFA0] =	vst v3;
	v2 =	vmax.f32 v2, $0.0e+00  }
0x21b: {  	v57 =	vadd.s32 $0xB4C00000, v18;
	v13 =	vld.idx.msk [tilespmem:v13+s3+$0x0], $0xffff;
	[tilespmem:s18+$0xFFFFFFB0] =	vst v4;
	v56 =	vmin.f32 v2, $2.550000000e+02;
	v2 =	vadd.f32 v17, v0  }
0x21c: {  	v12 =	vadd.f32 v27, v0;
	v1 =	vmul.f32 $2.550000000e+02, v30;
	v11 =	vmin.f32 v28, $2.550000000e+02;
	v3 =	vld.idx.msk [tilespmem:v9+s3+$0x0], $0xffff;
	[tilespmem:s18+$0xFFFFFFC0] =	vst v5  }
0x21d: {  	v9 =	vadd.f32 v20, v0;
	v20 =	vld.idx.msk [tilespmem:v10+s3+$0x0], $0xffff;
	v5 =	vadd.f32 v23, v0;
	[tilespmem:s18+$0xFFFFFFD0] =	vst v6;
	v60 =	vadd.s32 $0xB4C00000, v2  }
0x21e: {  	v14 =	vld.idx.msk [tilespmem:v14+s3+$0x0], $0xffff;
	[tilespmem:s18+$0xFFFFFFF0] =	vst v8;
	v8 =	vadd.s32 $0xB4C00000, v61;
	v10 =	vadd.f32 v11, v0;
	v1 =	vmax.f32 v1, $0.0e+00  }
0x21f: {  	v15 =	vld.idx.msk [tilespmem:v15+s3+$0x0], $0xffff;
	[tilespmem:s18+$0xFFFFFFE0] =	vst v7;
	v11 =	vadd.s32 $0xB4C00000, v58;
	v1 =	vmin.f32 v1, $2.550000000e+02;
	v17 =	vadd.f32 v21, v0  }
0x220: {  	v18 =	vld.idx.msk [tilespmem:v16+s3+$0x0], $0xffff;
	[tilespmem:s18+$0x20] =	vst v59;
	v4 =	vadd.s32 $0xB4C00000, v9;
	v6 =	vadd.s32 $0xB4C00000, v5;
	v9 =	vadd.f32 v1, v0  }
0x221: {  	v16 =	vld.idx.msk [tilespmem:v57+s3+$0x0], $0xffff;
	v5 =	vadd.f32 v56, v0;
	v7 =	vadd.s32 $0xB4C00000, v17;
	v17 =	vadd.f32 v54, v0;
	[tilespmem:s18+$0x0] =	vst v3  }
0x222: {  	s6 =	sadd.s32 s9, s16;
	s0 =	simm.s32 $0x6580;
	s19 =	simm.s32 $0x10;
	v1 =	vadd.s32 $0xB4C00000, v63;
	v2 =	vadd.s32 $0xB4C00000, v19;
	[tilespmem:s18+$0x10] =	vst v20;
	v3 =	vadd.s32 $0xB4C00000, v62;
	v19 =	vld.idx.msk [tilespmem:v60+s3+$0x0], $0xffff  }
.LBB2_9:
0x223: {  	v20 =	vld [tilespmem:s0+$0x70];
	s19 =	sadd.s32 $0x10, s19;
	v21 =	vadd.s32 $0xB4C00000, v12;
	v12 =	vadd.s32 $0xB4C00000, v10;
	v10 =	vadd.s32 $0xB4C00000, v17;
	[tilespmem:s18+$0x30] =	vst v13  }
0x224: {  	v9 =	vadd.s32 $0xB4C00000, v9;
	v5 =	vadd.s32 $0xB4C00000, v5;
	v13 =	vld [tilespmem:s0+$0xFFFFFF90];
	p0 =	slt.u32 s19, $0x1F0;
	[tilespmem:s18+$0x40] =	vst v14  }
0x225: {  	v14 =	vld [tilespmem:s0+$0xFFFFFFA0];
	[tilespmem:s18+$0x50] =	vst v15  }
0x226: {  	v15 =	vld [tilespmem:s0+$0xFFFFFFB0];
	[tilespmem:s18+$0x60] =	vst v18;
	s18 =	smov.u32 s10  }
0x227: {  	v17 =	vld [tilespmem:s0+$0xFFFFFFC0];
	[tilespmem:s10+$0xFFFFFF90] =	vst v16  }
0x228: {  	v16 =	vld [tilespmem:s0+$0xFFFFFFD0];
	v18 =	vmul.f32 $2.550000000e+02, v20;
	[tilespmem:s10+$0xFFFFFF80] =	vst v19  }
0x229: {  	v13 =	vmul.f32 $2.550000000e+02, v13;
	v19 =	vld [tilespmem:s0+$0xFFFFFFE0]  }
0x22a: {  	v14 =	vmul.f32 $2.550000000e+02, v14;
	v20 =	vld [tilespmem:s0+$0xFFFFFFF0];
	v18 =	vmax.f32 v18, $0.0e+00  }
0x22b: {  	v13 =	vmax.f32 v13, $0.0e+00;
	v15 =	vmul.f32 $2.550000000e+02, v15;
	v22 =	vld [tilespmem:s0+$0x0];
	v18 =	vmin.f32 v18, $2.550000000e+02  }
0x22c: {  	v14 =	vmax.f32 v14, $0.0e+00;
	v17 =	vmul.f32 $2.550000000e+02, v17;
	v23 =	vld [tilespmem:s0+$0x10];
	v18 =	vadd.f32 v18, v0  }
0x22d: {  	v13 =	vmin.f32 v13, $2.550000000e+02;
	v15 =	vmax.f32 v15, $0.0e+00;
	v16 =	vmul.f32 $2.550000000e+02, v16;
	v24 =	vld [tilespmem:s0+$0x20]  }
0x22e: {  	v17 =	vmax.f32 v17, $0.0e+00;
	v19 =	vmul.f32 $2.550000000e+02, v19;
	v25 =	vld [tilespmem:s0+$0x30];
	v18 =	vadd.s32 $0xB4C00000, v18  }
0x22f: {  	v14 =	vmin.f32 v14, $2.550000000e+02;
	v16 =	vmax.f32 v16, $0.0e+00;
	v20 =	vmul.f32 $2.550000000e+02, v20;
	v26 =	vld [tilespmem:s0+$0x40]  }
0x230: {  	v15 =	vmin.f32 v15, $2.550000000e+02;
	v19 =	vmax.f32 v19, $0.0e+00;
	v22 =	vmul.f32 $2.550000000e+02, v22;
	v27 =	vld [tilespmem:s0+$0x50]  }
0x231: {  	v17 =	vmin.f32 v17, $2.550000000e+02;
	v20 =	vmax.f32 v20, $0.0e+00;
	v23 =	vmul.f32 $2.550000000e+02, v23;
	v28 =	vld [tilespmem:s0+$0x60]  }
0x232: {  	v16 =	vmin.f32 v16, $2.550000000e+02;
	v29 =	vld [tilespmem:s0+$0xFFFFFF80];
	v22 =	vmax.f32 v22, $0.0e+00;
	v24 =	vmul.f32 $2.550000000e+02, v24  }
0x233: {  	v19 =	vmin.f32 v19, $2.550000000e+02;
	v23 =	vmax.f32 v23, $0.0e+00;
	v25 =	vmul.f32 $2.550000000e+02, v25;
	v18 =	vld.idx.msk [tilespmem:v18+s3+$0x0], $0xffff  }
0x234: {  	v20 =	vmin.f32 v20, $2.550000000e+02;
	v24 =	vmax.f32 v24, $0.0e+00;
	v26 =	vmul.f32 $2.550000000e+02, v26;
	v2 =	vld.idx.msk [tilespmem:v2+s3+$0x0], $0xffff  }
0x235: {  	v22 =	vmin.f32 v22, $2.550000000e+02;
	v25 =	vmax.f32 v25, $0.0e+00;
	v27 =	vmul.f32 $2.550000000e+02, v27;
	v4 =	vld.idx.msk [tilespmem:v4+s3+$0x0], $0xffff  }
0x236: {  	v23 =	vmin.f32 v23, $2.550000000e+02;
	v26 =	vmax.f32 v26, $0.0e+00;
	v28 =	vmul.f32 $2.550000000e+02, v28;
	v7 =	vld.idx.msk [tilespmem:v7+s3+$0x0], $0xffff  }
0x237: {  	v24 =	vmin.f32 v24, $2.550000000e+02;
	v29 =	vmul.f32 $2.550000000e+02, v29;
	v27 =	vmax.f32 v27, $0.0e+00;
	v11 =	vld.idx.msk [tilespmem:v11+s3+$0x0], $0xffff  }
0x238: {  	s10 =	sadd.s32 $0x100, s10;
	v25 =	vmin.f32 v25, $2.550000000e+02;
	v26 =	vmin.f32 v26, $2.550000000e+02;
	v28 =	vmax.f32 v28, $0.0e+00;
	v6 =	vld.idx.msk [tilespmem:v6+s3+$0x0], $0xffff  }
0x239: {  	v27 =	vmin.f32 v27, $2.550000000e+02;
	v29 =	vmax.f32 v29, $0.0e+00;
	v28 =	vmin.f32 v28, $2.550000000e+02;
	[tilespmem:s10+$0x70] =	vst v18;
	v8 =	vld.idx.msk [tilespmem:v8+s3+$0x0], $0xffff  }
0x23a: {  	v13 =	vadd.f32 v13, v0;
	v14 =	vadd.f32 v14, v0;
	v18 =	vmin.f32 v29, $2.550000000e+02;
	[tilespmem:s18+$0xFFFFFFA0] =	vst v2;
	v3 =	vld.idx.msk [tilespmem:v3+s3+$0x0], $0xffff  }
0x23b: {  	v15 =	vadd.f32 v15, v0;
	v2 =	vadd.f32 v18, v0;
	[tilespmem:s18+$0xFFFFFFB0] =	vst v4;
	v1 =	vld.idx.msk [tilespmem:v1+s3+$0x0], $0xffff  }
0x23c: {  	v17 =	vadd.f32 v17, v0;
	v30 =	vadd.f32 v16, v0;
	v29 =	vadd.s32 $0xB4C00000, v13;
	[tilespmem:s18+$0xFFFFFFC0] =	vst v7;
	v21 =	vld.idx.msk [tilespmem:v21+s3+$0x0], $0xffff  }
0x23d: {  	v19 =	vadd.f32 v19, v0;
	v20 =	vadd.f32 v20, v0;
	v31 =	vadd.s32 $0xB4C00000, v2;
	[tilespmem:s18+$0xFFFFFFD0] =	vst v11;
	v13 =	vld.idx.msk [tilespmem:v12+s3+$0x0], $0xffff  }
.Ltmp5:
0x23e: {  	v22 =	vadd.f32 v22, v0;
	v23 =	vadd.f32 v23, v0;
	v2 =	vadd.s32 $0xB4C00000, v14;
	[tilespmem:s18+$0xFFFFFFE0] =	vst v6;
	v14 =	vld.idx.msk [tilespmem:v10+s3+$0x0], $0xffff;
	(pc) =	sbr.rel @p0 .LBB2_9-.Ltmp5, $4  }
0x23f: {  	v4 =	vadd.s32 $0xB4C00000, v15;
	v12 =	vadd.f32 v24, v0;
	v10 =	vadd.f32 v25, v0;
	[tilespmem:s18+$0xFFFFFFF0] =	vst v8;
	v15 =	vld.idx.msk [tilespmem:v9+s3+$0x0], $0xffff  }
0x240: {  	v7 =	vadd.s32 $0xB4C00000, v17;
	v17 =	vadd.f32 v26, v0;
	v9 =	vadd.f32 v27, v0;
	[tilespmem:s18+$0x0] =	vst v3;
	v18 =	vld.idx.msk [tilespmem:v5+s3+$0x0], $0xffff  }
0x241: {  	v11 =	vadd.s32 $0xB4C00000, v30;
	v6 =	vadd.s32 $0xB4C00000, v19;
	v5 =	vadd.f32 v28, v0;
	v16 =	vld.idx.msk [tilespmem:v29+s3+$0x0], $0xffff;
	[tilespmem:s18+$0x10] =	vst v1  }
0x242: {  	s0 =	sadd.s32 $0x100, s0;
	v8 =	vadd.s32 $0xB4C00000, v20;
	v3 =	vadd.s32 $0xB4C00000, v22;
	v1 =	vadd.s32 $0xB4C00000, v23;
	v19 =	vld.idx.msk [tilespmem:v31+s3+$0x0], $0xffff;
	[tilespmem:s18+$0x20] =	vst v21  }
0x243: {  	_ =	sdelay $0x2  }
0x244: {  	[tilespmem:s18+$0x30] =	vst v13  }
0x245: {  	[tilespmem:s18+$0x40] =	vst v14;
	v0 =	vld.idx.msk [tilespmem:v2+s3+$0x0], $0xffff  }
0x246: {  	v55 =	vld.idx.msk [tilespmem:v4+s3+$0x0], $0xffff;
	[tilespmem:s18+$0x50] =	vst v15  }
0x247: {  	v56 =	vld.idx.msk [tilespmem:v7+s3+$0x0], $0xffff;
	[tilespmem:s18+$0x60] =	vst v18  }
0x248: {  	v57 =	vadd.s32 $0xB4C00000, v12;
	v11 =	vld.idx.msk [tilespmem:v11+s3+$0x0], $0xffff;
	[tilespmem:s10+$0xFFFFFF90] =	vst v16  }
0x249: {  	v10 =	vadd.s32 $0xB4C00000, v10;
	v6 =	vld.idx.msk [tilespmem:v6+s3+$0x0], $0xffff;
	[tilespmem:s10+$0xFFFFFF80] =	vst v19  }
0x24a: {  	v58 =	vadd.s32 $0xB4C00000, v17;
	v8 =	vld.idx.msk [tilespmem:v8+s3+$0x0], $0xffff;
	[tilespmem:s10+$0xFFFFFFA0] =	vst v0  }
0x24b: {  	v59 =	vadd.s32 $0xB4C00000, v9;
	v3 =	vld.idx.msk [tilespmem:v3+s3+$0x0], $0xffff;
	[tilespmem:s10+$0xFFFFFFB0] =	vst v55  }
0x24c: {  	v60 =	vadd.s32 $0xB4C00000, v5;
	v1 =	vld.idx.msk [tilespmem:v1+s3+$0x0], $0xffff;
	[tilespmem:s10+$0xFFFFFFC0] =	vst v56  }
0x24d: {  	v61 =	vld.idx.msk [tilespmem:v57+s3+$0x0], $0xffff;
	[tilespmem:s10+$0xFFFFFFD0] =	vst v11  }
0x24e: {  	v62 =	vld.idx.msk [tilespmem:v10+s3+$0x0], $0xffff;
	[tilespmem:s10+$0xFFFFFFE0] =	vst v6  }
0x24f: {  	v63 =	vld.idx.msk [tilespmem:v58+s3+$0x0], $0xffff;
	[tilespmem:s10+$0xFFFFFFF0] =	vst v8  }
0x250: {  	v0 =	vld.idx.msk [tilespmem:v59+s3+$0x0], $0xffff;
	[tilespmem:s10+$0x0] =	vst v3  }
0x251: {  	v2 =	vld.idx.msk [tilespmem:v60+s3+$0x0], $0xffff;
	[tilespmem:s10+$0x10] =	vst v1  }
0x252: {  	[tilespmem:s10+$0x20] =	vst v61  }
.Ltmp6:
0x253: {  	[tilespmem:s10+$0x30] =	vst v62;
	(pc) =	sbr.rel @p1 .LBB2_12-.Ltmp6, $4  }
0x254: {  	[tilespmem:s10+$0x40] =	vst v63  }
0x255: {  	s0 =	sshrl.u32 s6, $0x3;
	[tilespmem:s10+$0x50] =	vst v0  }
0x256: {  	s0 =	sadd.s32 s5, s0;
	[tilespmem:s10+$0x60] =	vst v2  }
0x257: {  	[hbm4b:s0+s3] =	stream.linear.scatter [tilespmem:s1], [sflag:$0x8], $0x2000, $0x38;
	[tilespmem:$0x10300] =	vst v63  }
.Ltmp7:
0x258: {  	(pc) =	sbr.rel .LBB2_2-.Ltmp7, $4  }
0x259: {  	s0 =	sadd.s32 s9, s17  }
0x25a: {  	s0 =	sshrl.u32 s0, $0x3  }
0x25b: {  	s8 =	sadd.s32 $0x1, s8;
	s0 =	sadd.s32 s2, s0  }
0x25c: {  	[tilespmem:s23], [sflag:$0x4] =	stream.linear.gather [hbm4b:s0+s3], $0x2000, $0x38;
	[tilespmem:$0x10300] =	vst v63  }
.LBB2_13:
0x25d: {  	_ =	sfence.sel $0x180000  }
0x25e: {  	[bflag:$0x0] =	sbarrier.arrive $0xFFFF  }
0x25f: {  	_ =	strace $0x9000004A  }
0x260: {  	s0 =	stileid.u32;
	[bflag:$0x2] =	sbarrier.arrive $0xFFFF  }
0x261: {  	p0 =	sne.s32 s0, $0x0;
	s0 =	rddreg [dreg:$0x2]  }
0x262: {  	s0 =	sadd.s32 @!p0 $0x100000, s0  }
0x263: {  	[sflag:s0] =	ssyncadd.tile.s32 @!p0 $0x1;
	_ =	shalt  }
.Lfunc_end2:
_tile_overlayer_lowered:
.L_overlay_start_2:
0x264: {  	(tag) =	ssettag $0x2  }
0x265: {  	s0 =	rddreg [dreg:$0x0];
	s2 =	stileid.u32  }
0x266: {  	s1 =	rddreg [dreg:$0x1];
	p0 =	sne.s32 s2, $0x0  }
0x267: {  	s3 =	rddreg [dreg:$0x2];
	[bflag:$0x3] =	sbarrier.arrive $0xFFFF;
	s2 =	simm.s32 @!p0 $0x1C09  }
0x268: {  	[timem:s3], [sflag:s2] =	dma.local @!p0 [hbm:s0], s1  }
0x269: {  	s0 =	simm.s32 @!p0 $0x9  }
0x26a: {  	_ =	swait.ge @!p0 [sflag:s0], s1  }
0x26b: {  	s1 =	ssub.s32 @!p0 $0x0, s1;
	[sflag:s0] =	ssyncset.done @!p0 $0x0  }
0x26c: {  	[sflag:s0] =	ssyncadd.s32 @!p0 s1  }
0x26d: {  	[bflag:$0x3] =	sbarrier.arrive $0xFFFF  }
0x26e: {  	_ =	shalt  }

// kernel: sparse-core-data-format-call.cloned.1.call-start
scs
called_computation_lowered:
.L_overlay_start_0:
0x0: {  	s2 =	sld [smem:$0x3FD9]  }
0x1: {  	s3 =	sld [smem:$0x3FFE];
	_ =	sdelay $0x1  }
0x2: {  	s1 =	srdreg.scid  }
0x3: {  	s0 =	sand.u32 $0x1, s1  }
0x4: {  	s19 =	sshll.u32 s0, $0xA;
	s2 =	sadd.s32 s3, s2  }
0x5: {  	s2 =	sadd.s32 s2, s19  }
0x6: {  	[smem:$0x3FC6] =	sst s2  }
0x7: {  	_ = 	snop  }
0x8: {  	s2 =	sld [smem:$0x3FC9]  }
0x9: {  	s20 =	sld [smem:$0x3FD0];
	(tm) =	ssettm $0x1  }
0xa: {  	s4 =	sld [smem:$0x3FFB];
	_ =	sdelay $0x3  }
0xb: {  	_ =	strace s4  }
0xc: {  	s4 =	sld [smem:$0x3FFC];
	_ =	sdelay $0x3  }
0xd: {  	_ =	strace s4  }
0xe: {  	s4 =	sld [smem:$0x3FFD];
	_ =	sdelay $0x3  }
0xf: {  	_ =	strace s4  }
0x10: {  	_ =	strace $0x8FFFFFFF  }
0x11: {  	s21 =	sld [smem:$0x3FDB];
	_ =	sdelay $0x1  }
0x12: {  	s5 =	simm.s32 $_scs_section_size  }
0x13: {  	s6 =	simm.s32 $_size__tile_overlayer_lowered;
	s7 =	simm.s32 $_tile_overlayer_lowered  }
0x14: {  	s24 =	simm.s32 $0x1BFF;
	s23 =	sshll.u32 s7, $0x1;
	s4 =	sadd.s32 s5, s21  }
0x15: {  	s8 =	simm.s32 $0x0;
	s22 =	sshll.u32 s6, $0x1;
	s6 =	sadd.s32 s23, s4  }
0x16: {  	[timem:s8], [sflag:s24] =	dma.local [hbm:s6], s22  }
0x17: {  	_ =	swait.ge [sflag:s24], s22  }
0x18: {  	s5 =	ssub.s32 $0x0, s22;
	[sflag:s24] =	ssyncset.done $0x0  }
0x19: {  	[sflag:s24] =	ssyncadd.s32 s5;
	_ =	sdelay $0x1  }
0x1a: {  	s25 =	simm.s32 $0x1B8B  }
0x1b: {  	_ =	swait.ge [sflag:s25], $0x1  }
0x1c: {  	[sflag:s25] =	ssyncset.done $0x0  }
0x1d: {  	s26 =	simm.s32 $0x1B8E;
	[sflag:s25] =	ssyncadd.s32 $0xFFFFFFFF  }
0x1e: {  	s27 =	simm.s32 $execute0_lowered;
	[smem:$0x3FD2] =	sst s26  }
0x1f: {  	s5 =	sshll.u32 s27, $0x1;
	_ =	strace $0x80000046;
	[dreg:$0x1] =	wrdreg $0xFFFFFFFF  }
0x20: {  	s28 =	simm.s32 $_size_execute0_lowered;
	s4 =	sadd.s32 s4, s5;
	[dreg:$0x0] =	wrdreg $0x0  }
0x21: {  	s5 =	sshll.u32 s28, $0x1;
	[dreg:$0x2] =	wrdreg s4  }
0x22: {  	[dreg:$0x3] =	wrdreg s5  }
0x23: {  	[dreg:$0x4] =	wrdreg $0xC0  }
0x24: {  	_ =	task [dreg:s8], $0x5FFFF  }
0x25: {  	[dreg:$0x1] =	wrdreg $0xFFFFFFFF  }
0x26: {  	[dreg:$0x0] =	wrdreg $0x60  }
0x27: {  	[dreg:$0x2] =	wrdreg s2  }
0x28: {  	[dreg:$0x3] =	wrdreg s20  }
0x29: {  	[dreg:$0x4] =	wrdreg $0x9  }
0x2a: {  	_ =	task.clear_ibuf [dreg:s8], $0x5FFFF;
	_ =	strace $0x90000046  }
0x2b: {  	s29 =	simm.s32 $0x9;
	_ =	strace $0x80000048  }
0x2c: {  	_ =	swait.ge [sflag:s29], $0x1  }
0x2d: {  	[sflag:s29] =	ssyncadd.s32 $0xFFFFFFFF  }
0x2e: {  	_ =	strace $0x90000048  }
0x2f: {  	_ =	sfence  }
0x30: {  	s30 =	sld [smem:$0x0];
	_ =	sdelay $0x2  }
0x31: {  	s31 =	sshll.u32 s1, $0xD;
	s1 =	sshrl.u32 s1, $0x2  }
0x32: {  	s3 =	sand.u32 $0x4000, s31;
	s1 =	sadd.s32 s1, s30  }
0x33: {  	s0 =	sor.u32 s3, s0;
	s1 =	sshll.u32 s1, $0x11  }
0x34: {  	s0 =	sor.u32 s1, s0  }
0x35: {  	s0 =	sadd.s32 $0x8F2B, s0  }
0x36: {  	[sflag:s0] =	ssyncadd.remote.s32 $0x1  }
0x37: {  	_ =	sfence.sel $0xFFFF  }
0x38: {  	[dreg:$0x0] =	wrdreg $0xFFFFFFFF;
	(pc) =	sbr.abs _section_cstart, $3  }
0x39: {  	[dreg:$0x1] =	wrdreg $0xFFFFFFFF  }
0x3a: {  	_ =	task.clear_ibuf [dreg:s8], $0x2FFFF;
	_ =	strace $0x9FFFFFFF  }
0x3b: {  	(tm) =	ssettm $0x7FFFFFFF  }
tec
execute0_lowered:
.L_overlay_start_1:
0x0: {  	(tag) =	ssettag $0x1  }
0x1: {  	s0 =	srdreg.scid  }
0x2: {  	s1 =	sshll.u32 s0, $0x4  }
0x3: {  	s2 =	rddreg [dreg:$0x0];
	s0 =	stileid.u32;
	s1 =	sand.u32 $0x10, s1  }
0x4: {  	s4 =	rddreg [dreg:$0x1];
	s1 =	sor.u32 s0, s1  }
0x5: {  	s7 =	simm.s32 $0x1;
	s8 =	simm.s32 $0x2;
	s3 =	sshll.u32 s1, $0x2  }
0x6: {  	s9 =	simm.s32 $0x0;
	s12 =	simm.s32 $0x0;
	s6 =	ssub.s32 $0x1800, s3  }
.Ltmp0:
0x7: {  	s11 =	simm.s32 $0x0;
	s5 =	sand.u32 $0x7C, s6;
	(pc) =	sbr.rel .LBB1_1-.Ltmp0, $4  }
0x8: {  	s1 =	rddreg [dreg:$0x2];
	_ =	strace $0x80000047;
	p0 =	sne.s32 s5, $0x0  }
0x9: {  	s6 =	sshrl.u32 s6, $0x7;
	s5 =	simm.s32 $0x1;
	s7 =	simm.s32 @!p0 $0x0  }
0xa: {  	s10 =	smov.u32 s3;
	[sflag:s5] =	ssyncpa.u1 $0x0;
	s6 =	sadd.s32 s7, s6  }
0xb: {  	[sflag:s8] =	ssyncpa.u1 $0x0;
	s8 =	simm.s32 $0x0;
	s7 =	sadd.s32 $0x1, s6  }
.LBB1_9:
0xc: {  	s14 =	sadd.s32 $0x80, s10  }
0xd: {  	p1 =	sgt.s32 s14, $0x17FF  }
0xe: {  	s14 =	smov.u32 @p1 s3;
	p1 =	sne.s32 s11, s7  }
.Ltmp1:
0xf: {  	p0 =	slt.u32 s11, $0x2;
	(pc) =	sbr.rel @!p1 .LBB1_10-.Ltmp1, $4  }
0x10: {  	s13 =	simm.s32 @!p0 $0x2  }
0x11: {  	s15 =	sadd.s32 $0x1, s11;
	_ =	swait.ge @!p0 [sflag:s13], $0x4000  }
0x12: {  	s12 =	smov.u32 s10;
	s9 =	sadd.s32 $0x4000, s9;
	[sflag:s13] =	ssyncset.done @!p0 $0x0  }
0x13: {  	s11 =	smov.u32 s15;
	s10 =	smov.u32 s14;
	[sflag:s13] =	ssyncadd.s32 @!p0 $0xFFFFC000  }
.LBB1_1:
0x14: {  	p0 =	sge.u32 s11, s6  }
0x15: {  	s13 =	sxor.u32 @!p0 $0xFFFFFFFF, s11  }
0x16: {  	s31 =	sadd.s32 $0xFFFFFFFF, s11;
	s14 =	sshll.u32 @!p0 s10, $0x9;
	s13 =	sshll.u32 @!p0 s13, $0xE  }
0x17: {  	s15 =	simm.s32 @!p0 $0x0;
	s14 =	sadd.s32 @!p0 s2, s14;
	s13 =	sand.u32 @!p0 $0x4000, s13  }
0x18: {  	[tilespmem:s13], [sflag:$0x1] =	stream.linear.gather @!p0 [hbm4b:s14+s15], $0x4000, $0x38;
	[tilespmem:$0x10000] =	vst v63  }
0x19: {  	p0 =	sge.u32 s31, s6  }
.Ltmp2:
0x1a: {  	_ = 	snop;
	(pc) =	sbr.rel @p0 .LBB1_9-.Ltmp2, $1  }
0x1b: {  	_ =	sdelay $0x3  }
0x1c: {  	s14 =	sand.u32 $0x4000, s9  }
0x1d: {  	_ =	swait.ge [sflag:s5], $0x4000;
	s15 =	sshll.u32 s11, $0xE;
	s16 =	simm.s32 $0x0  }
0x1e: {  	s13 =	sor.u32 $0x40, s14;
	[sflag:s5] =	ssyncset.done $0x0;
	s15 =	sand.u32 $0x4000, s15  }
0x1f: {  	s14 =	sor.u32 $0x8040, s14;
	[sflag:s5] =	ssyncadd.s32 $0xFFFFC000;
	s15 =	sor.u32 $0x8000, s15  }
.LBB1_3:
0x20: {  	s17 =	smov.u32 s14;
	s18 =	smov.u32 s13;
	s19 =	simm.s32 $0x0  }
.LBB1_4:
0x21: {  	v0 =	vmov s17;
	v2 =	vld [tilespmem:s18+$0x30]  }
0x22: {  	v4 =	vld [tilespmem:s18+$0xFFFFFFD0]  }
0x23: {  	v6 =	vld [tilespmem:s18+$0xFFFFFFE0]  }
0x24: {  	v7 =	vld [tilespmem:s18+$0xFFFFFFF0]  }
0x25: {  	s20 =	simm.s32 $0x0;
	v1 =	vld [tilespmem:s18+$0x0]  }
0x26: {  	v3 =	vld [tilespmem:s18+$0x10];
	[tilespmem:v0+s20+$0x30 ss:$0x1] =	vst.idx.msk $0xffff, v2  }
0x27: {  	v5 =	vld [tilespmem:s18+$0x20];
	[tilespmem:v0+s20+$0xFFFFFFD0 ss:$0x1] =	vst.idx.msk $0xffff, v4  }
0x28: {  	s21 =	sadd.s32 $0x80, s18;
	v2 =	vld [tilespmem:s18+$0xFFFFFFC0];
	[tilespmem:v0+s20+$0xFFFFFFE0 ss:$0x1] =	vst.idx.msk $0xffff, v6  }
0x29: {  	s22 =	simm.s32 $0x800;
	s23 =	simm.s32 $0x1000;
	v4 =	vld [tilespmem:s21+$0x30];
	[tilespmem:v0+s20+$0xFFFFFFF0 ss:$0x1] =	vst.idx.msk $0xffff, v7  }
.LBB1_5:
0x2a: {  	p0 =	sne.s32 s23, $0x3800;
	v6 =	vld [tilespmem:s21+$0xFFFFFFD0];
	[tilespmem:v0+s20+$0x0 ss:$0x1] =	vst.idx.msk $0xffff, v1  }
0x2b: {  	v7 =	vld [tilespmem:s21+$0xFFFFFFE0];
	[tilespmem:v0+s20+$0x10 ss:$0x1] =	vst.idx.msk $0xffff, v3  }
0x2c: {  	v8 =	vld [tilespmem:s21+$0xFFFFFFF0];
	[tilespmem:v0+s20+$0x20 ss:$0x1] =	vst.idx.msk $0xffff, v5  }
.Ltmp3:
0x2d: {  	v1 =	vld [tilespmem:s21+$0x0];
	[tilespmem:v0+s20+$0xFFFFFFC0 ss:$0x1] =	vst.idx.msk $0xffff, v2;
	s20 =	sshra.s32 s22, $0x2;
	s22 =	smov.u32 s23;
	(pc) =	sbr.rel @p0 .LBB1_5-.Ltmp3, $4  }
0x2e: {  	v3 =	vld [tilespmem:s21+$0x10];
	[tilespmem:v0+s20+$0x30 ss:$0x1] =	vst.idx.msk $0xffff, v4  }
0x2f: {  	[tilespmem:v0+s20+$0xFFFFFFD0 ss:$0x1] =	vst.idx.msk $0xffff, v6;
	v5 =	vld [tilespmem:s21+$0x20]  }
0x30: {  	v2 =	vld [tilespmem:s21+$0xFFFFFFC0];
	[tilespmem:v0+s20+$0xFFFFFFE0 ss:$0x1] =	vst.idx.msk $0xffff, v7;
	s21 =	sadd.s32 $0x80, s21  }
0x31: {  	s23 =	sadd.s32 $0x800, s23;
	v4 =	vld [tilespmem:s21+$0x30];
	[tilespmem:v0+s20+$0xFFFFFFF0 ss:$0x1] =	vst.idx.msk $0xffff, v8  }
0x32: {  	_ =	sdelay $0x3  }
0x33: {  	v6 =	vld [tilespmem:s21+$0xFFFFFFD0];
	[tilespmem:v0+s20+$0x0 ss:$0x1] =	vst.idx.msk $0xffff, v1  }
0x34: {  	v58 =	vld [tilespmem:s21+$0xFFFFFFE0];
	[tilespmem:v0+s20+$0x10 ss:$0x1] =	vst.idx.msk $0xffff, v3  }
0x35: {  	v59 =	vld [tilespmem:s21+$0xFFFFFFF0];
	[tilespmem:v0+s20+$0x20 ss:$0x1] =	vst.idx.msk $0xffff, v5  }
0x36: {  	s22 =	sshra.s32 s22, $0x2;
	v60 =	vld [tilespmem:s21+$0x0];
	[tilespmem:v0+s20+$0xFFFFFFC0 ss:$0x1] =	vst.idx.msk $0xffff, v2  }
0x37: {  	v61 =	vld [tilespmem:s21+$0x10];
	[tilespmem:v0+s22+$0x30 ss:$0x1] =	vst.idx.msk $0xffff, v4  }
0x38: {  	v62 =	vld [tilespmem:s21+$0x20];
	s19 =	sadd.s32 $0x1, s19;
	[tilespmem:v0+s22+$0xFFFFFFD0 ss:$0x1] =	vst.idx.msk $0xffff, v6  }
0x39: {  	v63 =	vld [tilespmem:s21+$0xFFFFFFC0];
	p0 =	sne.s32 s19, $0x4;
	[tilespmem:v0+s22+$0xFFFFFFE0 ss:$0x1] =	vst.idx.msk $0xffff, v58  }
.Ltmp4:
0x3a: {  	[tilespmem:v0+s22+$0xFFFFFFF0 ss:$0x1] =	vst.idx.msk $0xffff, v59;
	(pc) =	sbr.rel @p0 .LBB1_4-.Ltmp4, $4  }
0x3b: {  	[tilespmem:v0+s22+$0x0 ss:$0x1] =	vst.idx.msk $0xffff, v60  }
0x3c: {  	[tilespmem:v0+s22+$0x10 ss:$0x1] =	vst.idx.msk $0xffff, v61  }
0x3d: {  	[tilespmem:v0+s22+$0x20 ss:$0x1] =	vst.idx.msk $0xffff, v62  }
0x3e: {  	s18 =	sadd.s32 $0x400, s18;
	s17 =	sadd.s32 $0x80, s17;
	[tilespmem:v0+s22+$0xFFFFFFC0 ss:$0x1] =	vst.idx.msk $0xffff, v63  }
0x3f: {  	s16 =	sadd.s32 $0x1, s16  }
0x40: {  	p0 =	sne.s32 s16, $0x4  }
.Ltmp5:
0x41: {  	_ = 	snop;
	(pc) =	sbr.rel @p0 .LBB1_3-.Ltmp5, $2  }
0x42: {  	_ =	sdelay $0x2  }
0x43: {  	s13 =	sadd.s32 $0x1000, s13;
	s14 =	sadd.s32 $0x1000, s14  }
.Ltmp6:
0x44: {  	(pc) =	sbr.rel .LBB1_9-.Ltmp6, $4  }
0x45: {  	_ = 	snop  }
0x46: {  	s12 =	sshll.u32 s12, $0x9  }
0x47: {  	s12 =	sadd.s32 s4, s12  }
0x48: {  	[hbm4b:s12+s8] =	stream.linear.scatter [tilespmem:s15], [sflag:$0x2], $0x4000, $0x38;
	[tilespmem:$0x10000] =	vst v63  }
.LBB1_10:
0x49: {  	_ =	sfence.sel $0x180000  }
0x4a: {  	s2 =	simm.s32 $0x1;
	[bflag:$0x0] =	sbarrier.arrive $0xFFFF  }
0x4b: {  	s31 =	simm.s32 $0x2;
	[sflag:s2] =	ssyncpa.u1 $0x1  }
0x4c: {  	[sflag:s31] =	ssyncpa.u1 $0x1  }
0x4d: {  	p0 =	sne.s32 s0, $0x0;
	_ =	strace $0x90000047  }
0x4e: {  	s0 =	sadd.s32 @!p0 $0x100000, s1;
	[bflag:$0x2] =	sbarrier.arrive $0xFFFF  }
0x4f: {  	[sflag:s0] =	ssyncadd.tile.s32 @!p0 $0x1;
	_ =	shalt  }
.Lfunc_end1:
_tile_overlayer_lowered:
.L_overlay_start_2:
0x50: {  	(tag) =	ssettag $0x2  }
0x51: {  	s0 =	rddreg [dreg:$0x0];
	s2 =	stileid.u32  }
0x52: {  	s1 =	rddreg [dreg:$0x1];
	p0 =	sne.s32 s2, $0x0  }
0x53: {  	s3 =	rddreg [dreg:$0x2];
	[bflag:$0x3] =	sbarrier.arrive $0xFFFF;
	s2 =	simm.s32 @!p0 $0x1C01  }
0x54: {  	[timem:s3], [sflag:s2] =	dma.local @!p0 [hbm:s0], s1  }
0x55: {  	s0 =	simm.s32 @!p0 $0x1  }
0x56: {  	_ =	swait.ge @!p0 [sflag:s0], s1  }
0x57: {  	s1 =	ssub.s32 @!p0 $0x0, s1;
	[sflag:s0] =	ssyncset.done @!p0 $0x0  }
0x58: {  	[sflag:s0] =	ssyncadd.s32 @!p0 s1  }
0x59: {  	[bflag:$0x3] =	sbarrier.arrive $0xFFFF  }
0x5a: {  	_ =	shalt  }

</sc_bundles>
